<compile_context>
chip_gen: v7x
topology: tpu7x:2x2x1
jax: 0.10.2.dev20260603
libtpu: 0.0.44.dev20260713+nightly
codegen_flags: <defaults>
</compile_context>

<pallas_src>
import functools

import jax
import jax.numpy as jnp
from jax import lax
from jax.experimental import pallas as pl
from jax.experimental.pallas import tpu as pltpu
from jax.experimental.pallas import tpu_sc as plsc

T = 4096
L = 16
NCHUNK = T // L
BIG = T + 10
PAD = 128


def _mask_body(labels_hbm, out_hbm, press_v, rel_v, end_v, out_v, dma_sem):
    wid = lax.axis_index("s") * 2 + lax.axis_index("c")
    b = wid // 2
    f = wid % 2

    zeros = jnp.zeros((L,), jnp.float32)
    press_v[pl.ds(PAD - L, L)] = zeros
    press_v[pl.ds(PAD + T, L)] = zeros
    rel_v[pl.ds(PAD + T, L)] = zeros
    press_cp = pltpu.async_copy(
        labels_hbm.at[b, 2 * f], press_v.at[pl.ds(PAD, T)], dma_sem
    )
    pltpu.sync_copy(labels_hbm.at[b, 2 * f + 1], rel_v.at[pl.ds(PAD, T)])

    lanes = lax.broadcasted_iota(jnp.int32, (L,), 0)

    @plsc.parallel_loop(0, NCHUNK, carry=jnp.int32(BIG), unroll=4)
    def bwd(i, carry):
        c = NCHUNK - 1 - i
        base = PAD + c * L
        rel_c = rel_v[pl.ds(base, L)]
        rel_n = rel_v[pl.ds(base + 1, L)]
        t_idx = c * L + lanes
        z = jnp.where(rel_n - rel_c > 0, t_idx + 1, BIG)
        p = plsc.cummax(-lax.rev(z, (0,)))
        next_after = -lax.rev(jnp.maximum(p, -carry), (0,))
        end_v[pl.ds(c * L, L)] = jnp.minimum(next_after + 8, T)
        return jnp.minimum(carry, jnp.min(z))

    press_cp.wait()

    @plsc.parallel_loop(0, NCHUNK, carry=jnp.int32(0), unroll=4)
    def fwd(c, carry):
        base = PAD + c * L
        press_c = press_v[pl.ds(base, L)]
        press_p = press_v[pl.ds(base - 1, L)]
        cand = jnp.where(press_c - press_p > 0, end_v[pl.ds(c * L, L)], 0)
        e = jnp.maximum(plsc.cummax(cand), carry)
        t_idx = c * L + lanes
        out_v[pl.ds(c * L, L)] = jnp.where(e > t_idx, 1.0, 0.0)
        return jnp.maximum(carry, jnp.max(cand))

    pltpu.sync_copy(out_v, out_hbm.at[b, f])


@jax.jit
def kernel(gesture_labels):
    B = gesture_labels.shape[0]
    mesh = plsc.VectorSubcoreMesh(
        core_axis_name="c", subcore_axis_name="s", num_cores=2, num_subcores=16
    )
    call = pl.kernel(
        _mask_body,
        out_type=jax.ShapeDtypeStruct((B, 2, T), jnp.float32),
        mesh=mesh,
        scratch_types=[
            pltpu.VMEM((PAD + T + PAD,), jnp.float32),
            pltpu.VMEM((PAD + T + PAD,), jnp.float32),
            pltpu.VMEM((T,), jnp.int32),
            pltpu.VMEM((T,), jnp.float32),
            pltpu.SemaphoreType.DMA,
        ],
        compiler_params=pltpu.CompilerParams(
            needs_layout_passes=False,
        ),
    )
    return call(gesture_labels)

# --- scband reference (transcript-rebuilt; emitter-appended) ---
"""Pipeline reference for scband-finger-state-mask-generator-1692217114933 (READ-ONLY COPY).

The authoritative reference and input builder live on the scoring server;
editing this copy changes nothing except your own understanding.
"""

import jax, jax.numpy as jnp
import numpy as np

LPAD = 0
RPAD = 7
# GestureType channel layout
INDEX_PRESS, INDEX_RELEASE, MIDDLE_PRESS, MIDDLE_RELEASE = 0, 1, 2, 3


def setup_inputs(seed: int = 0) -> dict:
    key = jax.random.key(seed)
    # binary press/release pulse labels: [B, 4, T]
    gesture_labels = jax.random.randint(key, (16, 4, 4096), 0, 2).astype(jnp.float32)
    return {"gesture_labels": gesture_labels}


def _finger_mask(press_sig, release_sig):
    T = press_sig.shape[0]
    zero = jnp.zeros((1,), press_sig.dtype)
    press_on = jnp.diff(press_sig, prepend=zero) > 0
    rel_on = jnp.diff(release_sig, prepend=zero) > 0
    BIG = T + 10
    idxs = jnp.arange(T)
    # position of each release onset, BIG where no onset
    rel_pos = jnp.where(rel_on, idxs, BIG)
    # suffix_min[t] = min release-onset index s with s >= t
    suffix_min = jax.lax.cummin(rel_pos[::-1])[::-1]
    # strictly-after release: min onset index s with s > t
    next_after = jnp.concatenate([suffix_min[1:], jnp.array([BIG])])
    # no future release -> last time step (matches torch loop)
    release_idx = jnp.where(next_after >= T, T - 1, next_after)
    starts = jnp.maximum(idxs - LPAD, 0)
    ends = jnp.minimum(release_idx + RPAD + 1, T)
    # union of [start, end) intervals for every press onset via diff-array scatter-add
    w = press_on.astype(jnp.int32)
    d = jnp.zeros((T + 1,), jnp.int32)
    d = d.at[starts].add(w)
    d = d.at[ends].add(-w)
    cov = jnp.cumsum(d)[:T]
    return (cov > 0).astype(jnp.float32)


def reference(gesture_labels):
    def per_batch(lab):
        m0 = _finger_mask(lab[INDEX_PRESS], lab[INDEX_RELEASE])
        m1 = _finger_mask(lab[MIDDLE_PRESS], lab[MIDDLE_RELEASE])
        return jnp.stack([m0, m1], axis=0)
    return jax.vmap(per_batch)(gesture_labels)

if __name__ == "__main__":
    import jax
    _d = setup_inputs()
    print(jax.jit(kernel)(*tuple(_d.values())))

</pallas_src>

<mosaic_0001>
#map = affine_map<(d0, d1) -> (0, 0, 0)>
module attributes {stable_mosaic.version = 14 : i64} {
  func.func @_mask_body(%arg0: i32, %arg1: i32, %arg2: memref<16x4x4096xf32, #tpu.memory_space<hbm>>, %arg3: memref<16x2x4096xf32, #tpu.memory_space<hbm>>, %arg4: memref<4352xf32, #tpu.memory_space<vmem>>, %arg5: memref<4352xf32, #tpu.memory_space<vmem>>, %arg6: memref<4096xi32, #tpu.memory_space<vmem>>, %arg7: memref<4096xf32, #tpu.memory_space<vmem>>, %arg8: memref<!tpu.dma_semaphore, #tpu.memory_space<semaphore_mem>>) attributes {dimension_semantics = [#tpu.dimension_semantics<core_parallel>, #tpu.dimension_semantics<subcore_parallel>], iteration_bounds = array<i64: 2, 16>, scalar_prefetch = 0 : i64, scratch_operands = 5 : i64, tpu.core_type = #tpu.core_type<sc_vector_subcore>, window_params = [{transform_indices = #map}, {transform_indices = #map}]} {
    %mul3A = arith.constant 2 : i32
    %mul3A_0 = arith.muli %arg1, %mul3A : i32
    %add3A = arith.addi %mul3A_0, %arg0 : i32
    %jit3A = arith.constant 2 : i32
    %div3A = arith.divsi %add3A, %jit3A : i32
    %sign3A = arith.constant 0 : i32
    %sign3A_1 = arith.cmpi sgt, %add3A, %sign3A : i32
    %sign3A_2 = arith.extui %sign3A_1 : i1 to i32
    %sign3A_3 = arith.constant 0 : i32
    %sign3A_4 = arith.cmpi slt, %add3A, %sign3A_3 : i32
    %sign3A_5 = arith.extui %sign3A_4 : i1 to i32
    %sign3A_6 = arith.subi %sign3A_2, %sign3A_5 : i32
    %sign3A_7 = arith.constant 0 : i32
    %sign3A_8 = arith.cmpi sgt, %jit3A, %sign3A_7 : i32
    %sign3A_9 = arith.extui %sign3A_8 : i1 to i32
    %sign3A_10 = arith.constant 0 : i32
    %sign3A_11 = arith.cmpi slt, %jit3A, %sign3A_10 : i32
    %sign3A_12 = arith.extui %sign3A_11 : i1 to i32
    %sign3A_13 = arith.subi %sign3A_9, %sign3A_12 : i32
    %ne3A = arith.cmpi ne, %sign3A_6, %sign3A_13 : i32
    %rem3A = arith.remsi %add3A, %jit3A : i32
    %ne3A_14 = arith.constant 0 : i32
    %ne3A_15 = arith.cmpi ne, %rem3A, %ne3A_14 : i32
    %and3A = arith.andi %ne3A, %ne3A_15 : i1
    %sub3A = arith.constant 1 : i32
    %sub3A_16 = arith.subi %div3A, %sub3A : i32
    %select_n3A = arith.select %and3A, %sub3A_16, %div3A : i32
    %jit3A_17 = arith.constant 2 : i32
    %eq3A = arith.constant 0 : i32
    %eq3A_18 = arith.cmpi eq, %jit3A_17, %eq3A : i32
    %jit3A_19 = arith.constant 1 : i32
    %select_n3A_20 = arith.select %eq3A_18, %jit3A_19, %jit3A_17 : i32
    %rem3A_21 = arith.remsi %add3A, %select_n3A_20 : i32
    %ne3A_22 = arith.constant 0 : i32
    %ne3A_23 = arith.cmpi ne, %rem3A_21, %ne3A_22 : i32
    %lt3A = arith.constant 0 : i32
    %lt3A_24 = arith.cmpi slt, %rem3A_21, %lt3A : i32
    %lt3A_25 = arith.constant 0 : i32
    %lt3A_26 = arith.cmpi slt, %select_n3A_20, %lt3A_25 : i32
    %ne3A_27 = arith.xori %lt3A_24, %lt3A_26 : i1
    %and3A_28 = arith.andi %ne3A_27, %ne3A_23 : i1
    %add3A_29 = arith.addi %rem3A_21, %select_n3A_20 : i32
    %select_n3A_30 = arith.select %and3A_28, %add3A_29, %rem3A_21 : i32
    %broadcast_in_dim3A = arith.constant 0.000000e+00 : f32
    %broadcast_in_dim3A_31 = vector.broadcast %broadcast_in_dim3A : f32 to vector<16xf32>
    %swap3A = arith.constant 112 : index
    %swap3A_32 = tpu.vector_load %arg4[%swap3A] {strides = array<i32>} : memref<4352xf32, #tpu.memory_space<vmem>>, vector<16xf32>,
    tpu.vector_store %arg4[%swap3A], %broadcast_in_dim3A_31 {strides = array<i32>} : memref<4352xf32, #tpu.memory_space<vmem>>, vector<16xf32>,
    %swap3A_33 = arith.constant 4224 : index
    %swap3A_34 = tpu.vector_load %arg4[%swap3A_33] {strides = array<i32>} : memref<4352xf32, #tpu.memory_space<vmem>>, vector<16xf32>,
    tpu.vector_store %arg4[%swap3A_33], %broadcast_in_dim3A_31 {strides = array<i32>} : memref<4352xf32, #tpu.memory_space<vmem>>, vector<16xf32>,
    %swap3A_35 = arith.constant 4224 : index
    %swap3A_36 = tpu.vector_load %arg5[%swap3A_35] {strides = array<i32>} : memref<4352xf32, #tpu.memory_space<vmem>>, vector<16xf32>,
    tpu.vector_store %arg5[%swap3A_35], %broadcast_in_dim3A_31 {strides = array<i32>} : memref<4352xf32, #tpu.memory_space<vmem>>, vector<16xf32>,
    %mul3A_37 = arith.constant 2 : i32
    %mul3A_38 = arith.muli %mul3A_37, %select_n3A_30 : i32
    %dma_start3A = arith.constant 128 : i32
    %dma_start3A_39 = tpu.memref_slice %arg4[%dma_start3A] : memref<4352xf32, #tpu.memory_space<vmem>> -> memref<4096xf32, #tpu.memory_space<vmem>>
    %dma_start3A_40 = arith.constant 0 : i32
    %dma_start3A_41 = tpu.memref_slice %arg2[%select_n3A, %mul3A_38, %dma_start3A_40] : memref<16x4x4096xf32, #tpu.memory_space<hbm>> -> memref<1x1x4096xf32, #tpu.memory_space<hbm>>
    %dma_start3A_42 = tpu.memref_squeeze %dma_start3A_41 : memref<1x1x4096xf32, #tpu.memory_space<hbm>> -> memref<4096xf32, #tpu.memory_space<hbm>>
    %dma_start3A_43 = arith.constant 128 : i32
    %dma_start3A_44 = tpu.memref_slice %arg4[%dma_start3A_43] : memref<4352xf32, #tpu.memory_space<vmem>> -> memref<4096xf32, #tpu.memory_space<vmem>>
    %dma_start3A_45 = arith.constant 0 : i32
    %dma_start3A_46 = tpu.memref_slice %arg2[%select_n3A, %mul3A_38, %dma_start3A_45] : memref<16x4x4096xf32, #tpu.memory_space<hbm>> -> memref<1x1x4096xf32, #tpu.memory_space<hbm>>
    %dma_start3A_47 = tpu.memref_squeeze %dma_start3A_46 : memref<1x1x4096xf32, #tpu.memory_space<hbm>> -> memref<4096xf32, #tpu.memory_space<hbm>>
    tpu.enqueue_dma source(%dma_start3A_47 : memref<4096xf32, #tpu.memory_space<hbm>>) target(%dma_start3A_44 : memref<4096xf32, #tpu.memory_space<vmem>>) target_semaphore(%arg8 : memref<!tpu.dma_semaphore, #tpu.memory_space<semaphore_mem>>)
    %mul3A_48 = arith.constant 2 : i32
    %mul3A_49 = arith.muli %mul3A_48, %select_n3A_30 : i32
    %add3A_50 = arith.constant 1 : i32
    %add3A_51 = arith.addi %mul3A_49, %add3A_50 : i32
    "tpu.region"() ({
      %run_scoped3A = tpu.sem_alloc : memref<!tpu.dma_semaphore, #tpu.memory_space<semaphore_mem>>
      %dma_start3A_70 = arith.constant 128 : i32
      %dma_start3A_71 = tpu.memref_slice %arg5[%dma_start3A_70] : memref<4352xf32, #tpu.memory_space<vmem>> -> memref<4096xf32, #tpu.memory_space<vmem>>
      %dma_start3A_72 = arith.constant 0 : i32
      %dma_start3A_73 = tpu.memref_slice %arg2[%select_n3A, %add3A_51, %dma_start3A_72] : memref<16x4x4096xf32, #tpu.memory_space<hbm>> -> memref<1x1x4096xf32, #tpu.memory_space<hbm>>
      %dma_start3A_74 = tpu.memref_squeeze %dma_start3A_73 : memref<1x1x4096xf32, #tpu.memory_space<hbm>> -> memref<4096xf32, #tpu.memory_space<hbm>>
      %dma_start3A_75 = arith.constant 128 : i32
      %dma_start3A_76 = tpu.memref_slice %arg5[%dma_start3A_75] : memref<4352xf32, #tpu.memory_space<vmem>> -> memref<4096xf32, #tpu.memory_space<vmem>>
      %dma_start3A_77 = arith.constant 0 : i32
      %dma_start3A_78 = tpu.memref_slice %arg2[%select_n3A, %add3A_51, %dma_start3A_77] : memref<16x4x4096xf32, #tpu.memory_space<hbm>> -> memref<1x1x4096xf32, #tpu.memory_space<hbm>>
      %dma_start3A_79 = tpu.memref_squeeze %dma_start3A_78 : memref<1x1x4096xf32, #tpu.memory_space<hbm>> -> memref<4096xf32, #tpu.memory_space<hbm>>
      tpu.enqueue_dma source(%dma_start3A_79 : memref<4096xf32, #tpu.memory_space<hbm>>) target(%dma_start3A_76 : memref<4096xf32, #tpu.memory_space<vmem>>) target_semaphore(%run_scoped3A : memref<!tpu.dma_semaphore, #tpu.memory_space<semaphore_mem>>)
      %dma_wait3A_80 = arith.constant 128 : i32
      %dma_wait3A_81 = tpu.memref_slice %arg5[%dma_wait3A_80] : memref<4352xf32, #tpu.memory_space<vmem>> -> memref<4096xf32, #tpu.memory_space<vmem>>
      %dma_wait3A_82 = arith.constant 0 : i32
      %dma_wait3A_83 = tpu.memref_slice %arg2[%select_n3A, %add3A_51, %dma_wait3A_82] : memref<16x4x4096xf32, #tpu.memory_space<hbm>> -> memref<1x1x4096xf32, #tpu.memory_space<hbm>>
      %dma_wait3A_84 = tpu.memref_squeeze %dma_wait3A_83 : memref<1x1x4096xf32, #tpu.memory_space<hbm>> -> memref<4096xf32, #tpu.memory_space<hbm>>
      %dma_wait3A_85 = arith.constant 128 : i32
      %dma_wait3A_86 = tpu.memref_slice %arg5[%dma_wait3A_85] : memref<4352xf32, #tpu.memory_space<vmem>> -> memref<4096xf32, #tpu.memory_space<vmem>>
      %dma_wait3A_87 = arith.constant 0 : i32
      %dma_wait3A_88 = tpu.memref_slice %arg2[%select_n3A, %add3A_51, %dma_wait3A_87] : memref<16x4x4096xf32, #tpu.memory_space<hbm>> -> memref<1x1x4096xf32, #tpu.memory_space<hbm>>
      %dma_wait3A_89 = tpu.memref_squeeze %dma_wait3A_88 : memref<1x1x4096xf32, #tpu.memory_space<hbm>> -> memref<4096xf32, #tpu.memory_space<hbm>>
      tpu.wait_dma2 semaphore(%run_scoped3A : memref<!tpu.dma_semaphore, #tpu.memory_space<semaphore_mem>>) src(%dma_wait3A_89 : memref<4096xf32, #tpu.memory_space<hbm>>) dst(%dma_wait3A_86 : memref<4096xf32, #tpu.memory_space<vmem>>)
      tpu.yield
    }) : () -> ()
    %iota3A = tpu.iota {dimensions = array<i32: 0>} : vector<16xi32>
    %parallel_loop3A = arith.constant 0 : i32
    %parallel_loop3A_52 = arith.constant 256 : i32
    %parallel_loop3A_53 = arith.constant 1 : i32
    %parallel_loop3A_54 = arith.constant 4106 : i32
    %parallel_loop3A_55 = scf.for %parallel_loop3A_70 = %parallel_loop3A to %parallel_loop3A_52 step %parallel_loop3A_53 iter_args(%parallel_loop3A_71 = %parallel_loop3A_54) -> (i32)  : i32 {
      %parallel_loop3A_72 = arith.constant 255 : i32
      %parallel_loop3A_73 = arith.subi %parallel_loop3A_72, %parallel_loop3A_70 : i32
      %parallel_loop3A_74 = arith.constant 16 : i32
      %parallel_loop3A_75 = arith.muli %parallel_loop3A_73, %parallel_loop3A_74 : i32
      %parallel_loop3A_76 = arith.constant 128 : i32
      %parallel_loop3A_77 = arith.addi %parallel_loop3A_76, %parallel_loop3A_75 : i32
      %parallel_loop3A_78 = arith.index_cast %parallel_loop3A_77 : i32 to index
      %parallel_loop3A_79 = tpu.vector_load %arg5[%parallel_loop3A_78] {strides = array<i32>} : memref<4352xf32, #tpu.memory_space<vmem>>, vector<16xf32>,
      %parallel_loop3A_80 = arith.constant 1 : i32
      %parallel_loop3A_81 = arith.addi %parallel_loop3A_77, %parallel_loop3A_80 : i32
      %parallel_loop3A_82 = arith.index_cast %parallel_loop3A_81 : i32 to index
      %parallel_loop3A_83 = tpu.vector_load %arg5[%parallel_loop3A_82] {strides = array<i32>} : memref<4352xf32, #tpu.memory_space<vmem>>, vector<16xf32>,
      %parallel_loop3A_84 = arith.constant 16 : i32
      %parallel_loop3A_85 = arith.muli %parallel_loop3A_73, %parallel_loop3A_84 : i32
      %parallel_loop3A_86 = vector.broadcast %parallel_loop3A_85 : i32 to vector<16xi32>
      %parallel_loop3A_87 = arith.addi %parallel_loop3A_86, %iota3A : vector<16xi32>
      %parallel_loop3A_88 = arith.subf %parallel_loop3A_83, %parallel_loop3A_79 : vector<16xf32>
      %parallel_loop3A_89 = arith.constant 0.000000e+00 : f32
      %parallel_loop3A_90 = vector.broadcast %parallel_loop3A_89 : f32 to vector<16xf32>
      %parallel_loop3A_91 = arith.cmpf ogt, %parallel_loop3A_88, %parallel_loop3A_90 : vector<16xf32>
      %parallel_loop3A_92 = arith.constant 1 : i32
      %parallel_loop3A_93 = vector.broadcast %parallel_loop3A_92 : i32 to vector<16xi32>
      %parallel_loop3A_94 = arith.addi %parallel_loop3A_87, %parallel_loop3A_93 : vector<16xi32>
      %parallel_loop3A_95 = arith.constant 4106 : i32
      %parallel_loop3A_96 = vector.broadcast %parallel_loop3A_95 : i32 to vector<16xi32>
      %parallel_loop3A_97 = arith.select %parallel_loop3A_91, %parallel_loop3A_94, %parallel_loop3A_96 : vector<16xi1>, vector<16xi32>
      %parallel_loop3A_98 = arith.constant 15 : i32
      %parallel_loop3A_99 = vector.broadcast %parallel_loop3A_98 : i32 to vector<16xi32>
      %parallel_loop3A_100 = tpu.iota {dimensions = array<i32: 0>} : vector<16xi32>
      %parallel_loop3A_101 = arith.subi %parallel_loop3A_99, %parallel_loop3A_100 : vector<16xi32>
      %parallel_loop3A_102 = tpu.dynamic_gather %parallel_loop3A_97[%parallel_loop3A_101] in [0] : vector<16xi32>, vector<16xi32> -> vector<16xi32>
      %parallel_loop3A_103 = arith.constant 0 : i32
      %parallel_loop3A_104 = vector.broadcast %parallel_loop3A_103 : i32 to vector<16xi32>
      %parallel_loop3A_105 = arith.subi %parallel_loop3A_104, %parallel_loop3A_102 : vector<16xi32>
      %parallel_loop3A_106 = arith.constant true
      %parallel_loop3A_107 = vector.broadcast %parallel_loop3A_106 : i1 to vector<16xi1>
      %parallel_loop3A_108 = arith.constant -2147483648 : i32
      %parallel_loop3A_109 = vector.broadcast %parallel_loop3A_108 : i32 to vector<16xi32>
      %parallel_loop3A_110 = arith.xori %parallel_loop3A_105, %parallel_loop3A_109 : vector<16xi32>
      %parallel_loop3A_111 = tpu.scan <max>, %parallel_loop3A_110 masked %parallel_loop3A_107 : vector<16xi32>, vector<16xi1> -> vector<16xi32>
      %parallel_loop3A_112 = arith.xori %parallel_loop3A_111, %parallel_loop3A_109 : vector<16xi32>
      %parallel_loop3A_113 = arith.constant 0 : i32
      %parallel_loop3A_114 = arith.subi %parallel_loop3A_113, %parallel_loop3A_71 : i32
      %parallel_loop3A_115 = vector.broadcast %parallel_loop3A_114 : i32 to vector<16xi32>
      %parallel_loop3A_116 = arith.maxsi %parallel_loop3A_112, %parallel_loop3A_115 : vector<16xi32>
      %parallel_loop3A_117 = arith.constant 15 : i32
      %parallel_loop3A_118 = vector.broadcast %parallel_loop3A_117 : i32 to vector<16xi32>
      %parallel_loop3A_119 = tpu.iota {dimensions = array<i32: 0>} : vector<16xi32>
      %parallel_loop3A_120 = arith.subi %parallel_loop3A_118, %parallel_loop3A_119 : vector<16xi32>
      %parallel_loop3A_121 = tpu.dynamic_gather %parallel_loop3A_116[%parallel_loop3A_120] in [0] : vector<16xi32>, vector<16xi32> -> vector<16xi32>
      %parallel_loop3A_122 = arith.constant 0 : i32
      %parallel_loop3A_123 = vector.broadcast %parallel_loop3A_122 : i32 to vector<16xi32>
      %parallel_loop3A_124 = arith.subi %parallel_loop3A_123, %parallel_loop3A_121 : vector<16xi32>
      %parallel_loop3A_125 = arith.constant 8 : i32
      %parallel_loop3A_126 = vector.broadcast %parallel_loop3A_125 : i32 to vector<16xi32>
      %parallel_loop3A_127 = arith.addi %parallel_loop3A_124, %parallel_loop3A_126 : vector<16xi32>
      %parallel_loop3A_128 = arith.constant 4096 : i32
      %parallel_loop3A_129 = vector.broadcast %parallel_loop3A_128 : i32 to vector<16xi32>
      %parallel_loop3A_130 = arith.minsi %parallel_loop3A_127, %parallel_loop3A_129 : vector<16xi32>
      %parallel_loop3A_131 = arith.constant 16 : i32
      %parallel_loop3A_132 = arith.muli %parallel_loop3A_73, %parallel_loop3A_131 : i32
      %parallel_loop3A_133 = arith.index_cast %parallel_loop3A_132 : i32 to index
      %parallel_loop3A_134 = tpu.vector_load %arg6[%parallel_loop3A_133] {strides = array<i32>} : memref<4096xi32, #tpu.memory_space<vmem>>, vector<16xi32>,
      tpu.vector_store %arg6[%parallel_loop3A_133], %parallel_loop3A_130 {strides = array<i32>} : memref<4096xi32, #tpu.memory_space<vmem>>, vector<16xi32>,
      %parallel_loop3A_135 = arith.constant true
      %parallel_loop3A_136 = vector.broadcast %parallel_loop3A_135 : i1 to vector<16xi1>
      %parallel_loop3A_137 = arith.constant -2147483648 : i32
      %parallel_loop3A_138 = vector.broadcast %parallel_loop3A_137 : i32 to vector<16xi32>
      %parallel_loop3A_139 = arith.xori %parallel_loop3A_97, %parallel_loop3A_138 : vector<16xi32>
      %parallel_loop3A_140 = tpu.scan <min>, %parallel_loop3A_139 masked %parallel_loop3A_136 : vector<16xi32>, vector<16xi1> -> vector<16xi32>
      %parallel_loop3A_141 = arith.xori %parallel_loop3A_140, %parallel_loop3A_138 : vector<16xi32>
      %parallel_loop3A_142 = vector.extract %parallel_loop3A_141[15] : i32 from vector<16xi32>
      %parallel_loop3A_143 = arith.minsi %parallel_loop3A_71, %parallel_loop3A_142 : i32
      scf.yield %parallel_loop3A_143 : i32
    } {sc.loop_unroll_factor = 4 : i64, sc.parallel_access}
    %dma_wait3A = arith.constant 128 : i32
    %dma_wait3A_56 = tpu.memref_slice %arg4[%dma_wait3A] : memref<4352xf32, #tpu.memory_space<vmem>> -> memref<4096xf32, #tpu.memory_space<vmem>>
    %dma_wait3A_57 = arith.constant 0 : i32
    %dma_wait3A_58 = tpu.memref_slice %arg2[%select_n3A, %mul3A_38, %dma_wait3A_57] : memref<16x4x4096xf32, #tpu.memory_space<hbm>> -> memref<1x1x4096xf32, #tpu.memory_space<hbm>>
    %dma_wait3A_59 = tpu.memref_squeeze %dma_wait3A_58 : memref<1x1x4096xf32, #tpu.memory_space<hbm>> -> memref<4096xf32, #tpu.memory_space<hbm>>
    %dma_wait3A_60 = arith.constant 128 : i32
    %dma_wait3A_61 = tpu.memref_slice %arg4[%dma_wait3A_60] : memref<4352xf32, #tpu.memory_space<vmem>> -> memref<4096xf32, #tpu.memory_space<vmem>>
    %dma_wait3A_62 = arith.constant 0 : i32
    %dma_wait3A_63 = tpu.memref_slice %arg2[%select_n3A, %mul3A_38, %dma_wait3A_62] : memref<16x4x4096xf32, #tpu.memory_space<hbm>> -> memref<1x1x4096xf32, #tpu.memory_space<hbm>>
    %dma_wait3A_64 = tpu.memref_squeeze %dma_wait3A_63 : memref<1x1x4096xf32, #tpu.memory_space<hbm>> -> memref<4096xf32, #tpu.memory_space<hbm>>
    tpu.wait_dma2 semaphore(%arg8 : memref<!tpu.dma_semaphore, #tpu.memory_space<semaphore_mem>>) src(%dma_wait3A_64 : memref<4096xf32, #tpu.memory_space<hbm>>) dst(%dma_wait3A_61 : memref<4096xf32, #tpu.memory_space<vmem>>)
    %parallel_loop3A_65 = arith.constant 0 : i32
    %parallel_loop3A_66 = arith.constant 256 : i32
    %parallel_loop3A_67 = arith.constant 1 : i32
    %parallel_loop3A_68 = arith.constant 0 : i32
    %parallel_loop3A_69 = scf.for %parallel_loop3A_70 = %parallel_loop3A_65 to %parallel_loop3A_66 step %parallel_loop3A_67 iter_args(%parallel_loop3A_71 = %parallel_loop3A_68) -> (i32)  : i32 {
      %parallel_loop3A_72 = arith.constant 16 : i32
      %parallel_loop3A_73 = arith.muli %parallel_loop3A_70, %parallel_loop3A_72 : i32
      %parallel_loop3A_74 = arith.constant 128 : i32
      %parallel_loop3A_75 = arith.addi %parallel_loop3A_74, %parallel_loop3A_73 : i32
      %parallel_loop3A_76 = arith.index_cast %parallel_loop3A_75 : i32 to index
      %parallel_loop3A_77 = tpu.vector_load %arg4[%parallel_loop3A_76] {strides = array<i32>} : memref<4352xf32, #tpu.memory_space<vmem>>, vector<16xf32>,
      %parallel_loop3A_78 = arith.constant 1 : i32
      %parallel_loop3A_79 = arith.subi %parallel_loop3A_75, %parallel_loop3A_78 : i32
      %parallel_loop3A_80 = arith.index_cast %parallel_loop3A_79 : i32 to index
      %parallel_loop3A_81 = tpu.vector_load %arg4[%parallel_loop3A_80] {strides = array<i32>} : memref<4352xf32, #tpu.memory_space<vmem>>, vector<16xf32>,
      %parallel_loop3A_82 = arith.subf %parallel_loop3A_77, %parallel_loop3A_81 : vector<16xf32>
      %parallel_loop3A_83 = arith.constant 0.000000e+00 : f32
      %parallel_loop3A_84 = vector.broadcast %parallel_loop3A_83 : f32 to vector<16xf32>
      %parallel_loop3A_85 = arith.cmpf ogt, %parallel_loop3A_82, %parallel_loop3A_84 : vector<16xf32>
      %parallel_loop3A_86 = arith.constant 16 : i32
      %parallel_loop3A_87 = arith.muli %parallel_loop3A_70, %parallel_loop3A_86 : i32
      %parallel_loop3A_88 = arith.index_cast %parallel_loop3A_87 : i32 to index
      %parallel_loop3A_89 = tpu.vector_load %arg6[%parallel_loop3A_88] {strides = array<i32>} : memref<4096xi32, #tpu.memory_space<vmem>>, vector<16xi32>,
      %parallel_loop3A_90 = arith.constant 0 : i32
      %parallel_loop3A_91 = vector.broadcast %parallel_loop3A_90 : i32 to vector<16xi32>
      %parallel_loop3A_92 = arith.select %parallel_loop3A_85, %parallel_loop3A_89, %parallel_loop3A_91 : vector<16xi1>, vector<16xi32>
      %parallel_loop3A_93 = arith.constant true
      %parallel_loop3A_94 = vector.broadcast %parallel_loop3A_93 : i1 to vector<16xi1>
      %parallel_loop3A_95 = arith.constant -2147483648 : i32
      %parallel_loop3A_96 = vector.broadcast %parallel_loop3A_95 : i32 to vector<16xi32>
      %parallel_loop3A_97 = arith.xori %parallel_loop3A_92, %parallel_loop3A_96 : vector<16xi32>
      %parallel_loop3A_98 = tpu.scan <max>, %parallel_loop3A_97 masked %parallel_loop3A_94 : vector<16xi32>, vector<16xi1> -> vector<16xi32>
      %parallel_loop3A_99 = arith.xori %parallel_loop3A_98, %parallel_loop3A_96 : vector<16xi32>
      %parallel_loop3A_100 = vector.broadcast %parallel_loop3A_71 : i32 to vector<16xi32>
      %parallel_loop3A_101 = arith.maxsi %parallel_loop3A_99, %parallel_loop3A_100 : vector<16xi32>
      %parallel_loop3A_102 = arith.constant 16 : i32
      %parallel_loop3A_103 = arith.muli %parallel_loop3A_70, %parallel_loop3A_102 : i32
      %parallel_loop3A_104 = vector.broadcast %parallel_loop3A_103 : i32 to vector<16xi32>
      %parallel_loop3A_105 = arith.addi %parallel_loop3A_104, %iota3A : vector<16xi32>
      %parallel_loop3A_106 = arith.cmpi sgt, %parallel_loop3A_101, %parallel_loop3A_105 : vector<16xi32>
      %parallel_loop3A_107 = arith.constant 1.000000e+00 : f32
      %parallel_loop3A_108 = arith.constant 0.000000e+00 : f32
      %parallel_loop3A_109 = vector.broadcast %parallel_loop3A_107 : f32 to vector<16xf32>
      %parallel_loop3A_110 = vector.broadcast %parallel_loop3A_108 : f32 to vector<16xf32>
      %parallel_loop3A_111 = arith.select %parallel_loop3A_106, %parallel_loop3A_109, %parallel_loop3A_110 : vector<16xi1>, vector<16xf32>
      %parallel_loop3A_112 = arith.constant 16 : i32
      %parallel_loop3A_113 = arith.muli %parallel_loop3A_70, %parallel_loop3A_112 : i32
      %parallel_loop3A_114 = arith.index_cast %parallel_loop3A_113 : i32 to index
      %parallel_loop3A_115 = tpu.vector_load %arg7[%parallel_loop3A_114] {strides = array<i32>} : memref<4096xf32, #tpu.memory_space<vmem>>, vector<16xf32>,
      tpu.vector_store %arg7[%parallel_loop3A_114], %parallel_loop3A_111 {strides = array<i32>} : memref<4096xf32, #tpu.memory_space<vmem>>, vector<16xf32>,
      %parallel_loop3A_116 = arith.constant true
      %parallel_loop3A_117 = vector.broadcast %parallel_loop3A_116 : i1 to vector<16xi1>
      %parallel_loop3A_118 = arith.constant -2147483648 : i32
      %parallel_loop3A_119 = vector.broadcast %parallel_loop3A_118 : i32 to vector<16xi32>
      %parallel_loop3A_120 = arith.xori %parallel_loop3A_92, %parallel_loop3A_119 : vector<16xi32>
      %parallel_loop3A_121 = tpu.scan <max>, %parallel_loop3A_120 masked %parallel_loop3A_117 : vector<16xi32>, vector<16xi1> -> vector<16xi32>
      %parallel_loop3A_122 = arith.xori %parallel_loop3A_121, %parallel_loop3A_119 : vector<16xi32>
      %parallel_loop3A_123 = vector.extract %parallel_loop3A_122[15] : i32 from vector<16xi32>
      %parallel_loop3A_124 = arith.maxsi %parallel_loop3A_71, %parallel_loop3A_123 : i32
      scf.yield %parallel_loop3A_124 : i32
    } {sc.loop_unroll_factor = 4 : i64, sc.parallel_access}
    "tpu.region"() ({
      %run_scoped3A = tpu.sem_alloc : memref<!tpu.dma_semaphore, #tpu.memory_space<semaphore_mem>>
      %dma_start3A_70 = arith.constant 0 : i32
      %dma_start3A_71 = tpu.memref_slice %arg3[%select_n3A, %select_n3A_30, %dma_start3A_70] : memref<16x2x4096xf32, #tpu.memory_space<hbm>> -> memref<1x1x4096xf32, #tpu.memory_space<hbm>>
      %dma_start3A_72 = tpu.memref_squeeze %dma_start3A_71 : memref<1x1x4096xf32, #tpu.memory_space<hbm>> -> memref<4096xf32, #tpu.memory_space<hbm>>
      %dma_start3A_73 = arith.constant 0 : i32
      %dma_start3A_74 = tpu.memref_slice %arg3[%select_n3A, %select_n3A_30, %dma_start3A_73] : memref<16x2x4096xf32, #tpu.memory_space<hbm>> -> memref<1x1x4096xf32, #tpu.memory_space<hbm>>
      %dma_start3A_75 = tpu.memref_squeeze %dma_start3A_74 : memref<1x1x4096xf32, #tpu.memory_space<hbm>> -> memref<4096xf32, #tpu.memory_space<hbm>>
      tpu.enqueue_dma source(%arg7 : memref<4096xf32, #tpu.memory_space<vmem>>) target(%dma_start3A_75 : memref<4096xf32, #tpu.memory_space<hbm>>) target_semaphore(%run_scoped3A : memref<!tpu.dma_semaphore, #tpu.memory_space<semaphore_mem>>)
      %dma_wait3A_76 = arith.constant 0 : i32
      %dma_wait3A_77 = tpu.memref_slice %arg3[%select_n3A, %select_n3A_30, %dma_wait3A_76] : memref<16x2x4096xf32, #tpu.memory_space<hbm>> -> memref<1x1x4096xf32, #tpu.memory_space<hbm>>
      %dma_wait3A_78 = tpu.memref_squeeze %dma_wait3A_77 : memref<1x1x4096xf32, #tpu.memory_space<hbm>> -> memref<4096xf32, #tpu.memory_space<hbm>>
      %dma_wait3A_79 = arith.constant 0 : i32
      %dma_wait3A_80 = tpu.memref_slice %arg3[%select_n3A, %select_n3A_30, %dma_wait3A_79] : memref<16x2x4096xf32, #tpu.memory_space<hbm>> -> memref<1x1x4096xf32, #tpu.memory_space<hbm>>
      %dma_wait3A_81 = tpu.memref_squeeze %dma_wait3A_80 : memref<1x1x4096xf32, #tpu.memory_space<hbm>> -> memref<4096xf32, #tpu.memory_space<hbm>>
      tpu.wait_dma2 semaphore(%run_scoped3A : memref<!tpu.dma_semaphore, #tpu.memory_space<semaphore_mem>>) src(%arg7 : memref<4096xf32, #tpu.memory_space<vmem>>) dst(%dma_wait3A_81 : memref<4096xf32, #tpu.memory_space<hbm>>)
      tpu.yield
    }) : () -> ()
    return
  }
}

</mosaic_0001>

<sc_bundles>
// kernel: kernel.3.cloned.1.call-start
scs
__scs_entry_jumppad:
0x0: {  	(pc) =	sbr.rel $0x88, $3  }
0x1: {  	(tag) =	ssettag $0x0;
	lr =	simm.s32 $0x1  }
0x2: {  	[smem:$0x3FA0] =	sst lr;
	_ =	strace $0xD0000000  }
0x3: {  	_ = 	snop  }
0x4: {  	_ = 	snop  }
0x5: {  	_ = 	snop  }
0x6: {  	_ = 	snop  }
0x7: {  	_ = 	snop  }
__scs_overlays_trampoline_lowered:
0x8: {  	[smem:$0x3FAF] =	sst s0  }
0x9: {  	[smem:$0x3FB0] =	sst s1  }
0xa: {  	[smem:$0x3FB1] =	sst s2  }
0xb: {  	[smem:$0x3FB2] =	sst s3  }
0xc: {  	[smem:$0x3FB3] =	sst s4  }
0xd: {  	[smem:$0x3FB4] =	sst s5  }
0xe: {  	[smem:$0x3FB5] =	sst s6  }
0xf: {  	[smem:$0x3FB6] =	sst s7  }
0x10: {  	[smem:$0x3FB7] =	sst s8  }
0x11: {  	[smem:$0x3FB8] =	sst s9;
	s0 =	simm.s32 @!p0 $0x0  }
0x12: {  	s1 =	sld [smem:$0x3F9E];
	s0 =	simm.s32 @p0 $0x1  }
0x13: {  	[smem:$0x3FB9] =	sst s0;
	s0 =	simm.s32 @!p1 $0x0  }
0x14: {  	s2 =	sld [smem:$0x3F9D];
	s0 =	simm.s32 @p1 $0x1  }
0x15: {  	[smem:$0x3FBA] =	sst s0;
	s0 =	simm.s32 @!p2 $0x0  }
0x16: {  	s3 =	sld [smem:$0x3FDB];
	s0 =	simm.s32 @p2 $0x1  }
0x17: {  	s4 =	simm.s32 $0x1BF5;
	[smem:$0x3FBC] =	sst s0  }
0x18: {  	s0 =	sld [smem:$0x3F9F];
	_ =	swait.ge [sflag:s4], $0x0  }
0x19: {  	s7 =	sld [smem:$0x3FA0]  }
0x1a: {  	s8 =	sadd.s32 $0xFFFFE003, lr  }
0x1b: {  	s9 =	sadd.s32 $0xFFFFFEF7, lr;
	s5 =	simm.s32 $0xFFFFFFFF;
	p2 =	slt.u32 s8, $0xFFFFF086  }
0x1c: {  	p1 =	slt.u32 s9, $0xF7A;
	s5 =	simm.s32 @!p2 $0x0  }
0x1d: {  	s5 =	simm.s32 @p1 $0x1;
	p0 =	seq.s32 s7, s2  }
0x1e: {  	s7 =	smul.u32 @!p0 $0xF7A, s2;
	p2 =	seq.s32 @!p0 s5, $0x0  }
0x1f: {  	s9 =	smul.u32 $0xF7A, s1;
	s8 =	simm.s32 @!p0 $0x1BF5;
	p2 =	por !p2, p0  }
0x20: {  	[sflag:s8] =	ssyncset.s32 @!p0 $0xFFFFF086;
	s6 =	sadd.s32 @!p0 s3, s7;
	s7 =	simm.s32 @!p0 $0x108  }
0x21: {  	s3 =	sadd.s32 s3, s9;
	s6 =	sadd.s32 @!p0 $0x88, s6;
	s7 =	simm.s32 @p2 $0x1082  }
0x22: {  	[simem:s7], [sflag:s8] =	dma.local @!p0 [hbm:s6], $0xF7A  }
0x23: {  	s9 =	sor.u32 $0xD0000000, s2;
	s6 =	simm.s32 $0x108;
	_ =	swait.ge @!p0 [sflag:s8], $0x0  }
0x24: {  	s3 =	sadd.s32 $0x88, s3;
	s6 =	simm.s32 @!p1 $0x1082;
	[sflag:s4] =	ssyncset.s32 $0xFFFFF086  }
0x25: {  	[simem:s6], [sflag:s4] =	dma.local [hbm:s3], $0xF7A  }
0x26: {  	[smem:$0x3FA0] =	sst s1;
	(tag) =	ssettag s2;
	_ =	strace s9  }
0x27: {  	s1 =	sld [smem:$0x3FB0]  }
0x28: {  	s2 =	sld [smem:$0x3FB1]  }
0x29: {  	s4 =	sld [smem:$0x3FB3]  }
0x2a: {  	p0 =	seq.s32 s5, $0x0;
	s5 =	sld [smem:$0x3FB4]  }
0x2b: {  	s6 =	sld [smem:$0x3FB5]  }
0x2c: {  	s7 =	sld [smem:$0x3FB6]  }
0x2d: {  	s3 =	simm.s32 $0x108;
	s8 =	sld [smem:$0x3FB7]  }
0x2e: {  	s3 =	simm.s32 @!p0 $0x1082;
	s9 =	sld [smem:$0x3FB8]  }
0x2f: {  	lr =	sadd.s32 s0, s3;
	s0 =	sld [smem:$0x3FAF]  }
0x30: {  	s3 =	sld [smem:$0x3FB2]  }
0x31: {  	[smem:$0x3FBB] =	sst s10  }
0x32: {  	s10 =	sld [smem:$0x3FB9];
	_ =	sdelay $0x3  }
0x33: {  	p0 =	seq.s32 s10, $0x1;
	s10 =	sld [smem:$0x3FBB];
	_ =	sdelay $0x3  }
0x34: {  	[smem:$0x3FBB] =	sst s10  }
0x35: {  	s10 =	sld [smem:$0x3FBA];
	_ =	sdelay $0x3  }
0x36: {  	p1 =	seq.s32 s10, $0x1;
	s10 =	sld [smem:$0x3FBB];
	_ =	sdelay $0x3  }
0x37: {  	[smem:$0x3FBB] =	sst s10  }
0x38: {  	s10 =	sld [smem:$0x3FBC]  }
0x39: {  	_ = 	snop;
	(pc) =	sbr.ind lr, $3  }
0x3a: {  	_ = 	snop  }
0x3b: {  	_ = 	snop  }
0x3c: {  	p2 =	seq.s32 s10, $0x1;
	s10 =	sld [smem:$0x3FBB]  }
0x3d: {  	_ =	shalt  }
0x3e: {  	_ =	shalt  }
0x3f: {  	_ =	shalt  }
0x40: {  	_ =	shalt  }
0x41: {  	_ =	shalt  }
0x42: {  	_ =	shalt  }
0x43: {  	_ =	shalt  }
0x44: {  	_ =	shalt  }
0x45: {  	_ =	shalt  }
0x46: {  	_ =	shalt  }
0x47: {  	_ =	shalt  }
0x48: {  	_ =	shalt  }
0x49: {  	_ =	shalt  }
0x4a: {  	_ =	shalt  }
0x4b: {  	_ =	shalt  }
0x4c: {  	_ =	shalt  }
0x4d: {  	_ =	shalt  }
0x4e: {  	_ =	shalt  }
0x4f: {  	_ =	shalt  }
0x50: {  	_ =	shalt  }
0x51: {  	_ =	shalt  }
0x52: {  	_ =	shalt  }
0x53: {  	_ =	shalt  }
0x54: {  	_ =	shalt  }
0x55: {  	_ =	shalt  }
0x56: {  	_ =	shalt  }
0x57: {  	_ =	shalt  }
0x58: {  	_ =	shalt  }
0x59: {  	_ =	shalt  }
0x5a: {  	_ =	shalt  }
0x5b: {  	_ =	shalt  }
0x5c: {  	_ =	shalt  }
0x5d: {  	_ =	shalt  }
0x5e: {  	_ =	shalt  }
0x5f: {  	_ =	shalt  }
0x60: {  	_ =	shalt  }
0x61: {  	_ =	shalt  }
0x62: {  	_ =	shalt  }
0x63: {  	_ =	shalt  }
0x64: {  	_ =	shalt  }
0x65: {  	_ =	shalt  }
0x66: {  	_ =	shalt  }
0x67: {  	_ =	shalt  }
0x68: {  	_ =	shalt  }
0x69: {  	_ =	shalt  }
0x6a: {  	_ =	shalt  }
0x6b: {  	_ =	shalt  }
0x6c: {  	_ =	shalt  }
0x6d: {  	_ =	shalt  }
0x6e: {  	_ =	shalt  }
0x6f: {  	_ =	shalt  }
0x70: {  	_ =	shalt  }
0x71: {  	_ =	shalt  }
0x72: {  	_ =	shalt  }
0x73: {  	_ =	shalt  }
0x74: {  	_ =	shalt  }
0x75: {  	_ =	shalt  }
0x76: {  	_ =	shalt  }
0x77: {  	_ =	shalt  }
0x78: {  	_ =	shalt  }
0x79: {  	_ =	shalt  }
0x7a: {  	_ =	shalt  }
0x7b: {  	_ =	shalt  }
0x7c: {  	_ =	shalt  }
0x7d: {  	_ =	shalt  }
0x7e: {  	_ =	shalt  }
0x7f: {  	_ =	shalt  }
0x80: {  	_ =	shalt  }
0x81: {  	_ =	shalt  }
0x82: {  	_ =	shalt  }
0x83: {  	_ =	shalt  }
0x84: {  	_ =	shalt  }
0x85: {  	_ =	shalt  }
0x86: {  	_ =	shalt  }
0x87: {  	_ =	shalt  }
.Lfunc_end0:
.L_simem_size_0:
called_computation_lowered:
.L_overlay_start_0:
0x88: {  	s2 =	sld [smem:$0x3FD9]  }
0x89: {  	s3 =	sld [smem:$0x3FFE];
	_ =	sdelay $0x1  }
0x8a: {  	s1 =	srdreg.scid  }
0x8b: {  	s0 =	sand.u32 $0x1, s1  }
0x8c: {  	s18 =	sshll.u32 s0, $0xA;
	s2 =	sadd.s32 s3, s2  }
0x8d: {  	s2 =	sadd.s32 s2, s18  }
0x8e: {  	[smem:$0x3FC7] =	sst s2  }
0x8f: {  	_ = 	snop  }
0x90: {  	s2 =	sld [smem:$0x3FC9]  }
0x91: {  	s19 =	sld [smem:$0x3FD0];
	(tm) =	ssettm $0x1  }
0x92: {  	s4 =	sld [smem:$0x3FFB];
	_ =	sdelay $0x3  }
0x93: {  	_ =	strace s4  }
0x94: {  	s4 =	sld [smem:$0x3FFC];
	_ =	sdelay $0x3  }
0x95: {  	_ =	strace s4  }
0x96: {  	s4 =	sld [smem:$0x3FFD];
	_ =	sdelay $0x3  }
0x97: {  	_ =	strace s4  }
0x98: {  	_ =	strace $0x8FFFFFFF  }
0x99: {  	s20 =	sld [smem:$0x3FDB];
	_ =	sdelay $0x1  }
0x9a: {  	s5 =	simm.s32 $_scs_section_size  }
0x9b: {  	s6 =	simm.s32 $_size__tile_overlayer_lowered;
	s7 =	simm.s32 $_tile_overlayer_lowered  }
0x9c: {  	s23 =	simm.s32 $0x1BFF;
	s22 =	sshll.u32 s7, $0x1;
	s4 =	sadd.s32 s5, s20  }
0x9d: {  	s8 =	simm.s32 $0x0;
	s21 =	sshll.u32 s6, $0x1;
	s6 =	sadd.s32 s22, s4  }
0x9e: {  	[timem:s8], [sflag:s23] =	dma.local [hbm:s6], s21  }
0x9f: {  	_ =	swait.ge [sflag:s23], s21  }
0xa0: {  	s5 =	ssub.s32 $0x0, s21;
	[sflag:s23] =	ssyncset.done $0x0  }
0xa1: {  	[sflag:s23] =	ssyncadd.s32 s5;
	_ =	sdelay $0x1  }
0xa2: {  	s24 =	simm.s32 $0x1B8B  }
0xa3: {  	_ =	swait.ge [sflag:s24], $0x1  }
0xa4: {  	[sflag:s24] =	ssyncset.done $0x0  }
0xa5: {  	s25 =	simm.s32 $0x1B8E;
	[sflag:s24] =	ssyncadd.s32 $0xFFFFFFFF  }
0xa6: {  	s26 =	simm.s32 $execute0_lowered;
	[smem:$0x3FD2] =	sst s25  }
0xa7: {  	s5 =	sshll.u32 s26, $0x1;
	_ =	strace $0x80000046;
	[dreg:$0x1] =	wrdreg $0xFFFFFFFF  }
0xa8: {  	s28 =	simm.s32 $_size_execute0_lowered;
	s4 =	sadd.s32 s4, s5;
	[dreg:$0x0] =	wrdreg $0x0  }
0xa9: {  	s5 =	sshll.u32 s28, $0x1;
	[dreg:$0x2] =	wrdreg s4  }
0xaa: {  	[dreg:$0x3] =	wrdreg s5  }
0xab: {  	[dreg:$0x4] =	wrdreg $0xC0  }
0xac: {  	_ =	task [dreg:s8], $0x5FFFF  }
0xad: {  	[dreg:$0x1] =	wrdreg $0xFFFFFFFF  }
0xae: {  	[dreg:$0x0] =	wrdreg $0x60  }
0xaf: {  	[dreg:$0x2] =	wrdreg s2  }
0xb0: {  	[dreg:$0x3] =	wrdreg s19  }
0xb1: {  	[dreg:$0x4] =	wrdreg $0x9  }
0xb2: {  	_ =	task.clear_ibuf [dreg:s8], $0x5FFFF;
	_ =	strace $0x90000046  }
0xb3: {  	s29 =	simm.s32 $0x9;
	_ =	strace $0x80000048  }
0xb4: {  	_ =	swait.ge [sflag:s29], $0x1  }
0xb5: {  	[sflag:s29] =	ssyncadd.s32 $0xFFFFFFFF  }
0xb6: {  	_ =	strace $0x90000048  }
0xb7: {  	_ =	sfence  }
0xb8: {  	s30 =	sld [smem:$0x0];
	_ =	sdelay $0x2  }
0xb9: {  	s31 =	sshll.u32 s1, $0xD;
	s1 =	sshrl.u32 s1, $0x2  }
0xba: {  	s3 =	sand.u32 $0x4000, s31;
	s1 =	sadd.s32 s1, s30  }
0xbb: {  	s0 =	sor.u32 s3, s0;
	s1 =	sshll.u32 s1, $0x11  }
0xbc: {  	s0 =	sor.u32 s1, s0  }
0xbd: {  	s0 =	sadd.s32 $0x8F2B, s0  }
0xbe: {  	[sflag:s0] =	ssyncadd.remote.s32 $0x1  }
0xbf: {  	_ =	sfence.sel $0xFFFF  }
0xc0: {  	[dreg:$0x0] =	wrdreg $0xFFFFFFFF;
	(pc) =	sbr.abs _section_cstart, $3  }
0xc1: {  	[dreg:$0x1] =	wrdreg $0xFFFFFFFF  }
0xc2: {  	_ =	task.clear_ibuf [dreg:s8], $0x2FFFF;
	_ =	strace $0x9FFFFFFF  }
0xc3: {  	(tm) =	ssettm $0x7FFFFFFF  }
tec
execute0_lowered:
.L_overlay_start_1:
0x0: {  	(tag) =	ssettag $0x1  }
0x1: {  	s1 =	srdreg.scid  }
0x2: {  	s0 =	stileid.u32;
	s4 =	rddreg [dreg:$0x0]  }
0x3: {  	s6 =	rddreg [dreg:$0x1];
	s2 =	simm.s32 $0x0;
	s3 =	sand.u32 $0x1, s1  }
0x4: {  	s5 =	simm.s32 $0x1;
	s11 =	simm.s32 $0x2;
	s1 =	sor.u32 s3, s0  }
0x5: {  	s12 =	simm.s32 $0x100;
	p1 =	seq.s32 s3, $0x1;
	p0 =	seq.s32 s1, $0x0  }
0x6: {  	s13 =	simm.s32 $0x3200;
	[smem:$0x7FF] =	sst s2;
	p0 =	por !p0, !p1  }
0x7: {  	s7 =	ssub.s32 $0x2, s3;
	s10 =	sshll.u32 s3, $0x8;
	p0 =	por !p0, !p0  }
0x8: {  	s3 =	sshll.u32 s3, $0x7;
	s1 =	rddreg [dreg:$0x2];
	s5 =	simm.s32 @!p0 $0x0  }
0x9: {  	_ =	strace $0x80000047;
	s8 =	sshrl.u32 s7, $0x1;
	s5 =	ssub.s32 s0, s5  }
0xa: {  	s7 =	ssub.s32 s7, s8;
	s8 =	simm.s32 $0x200;
	s9 =	sshll.u32 s5, $0xE  }
0xb: {  	v0 =	vlaneseq.u32;
	s7 =	smax.u32 s7, $0x1;
	s5 =	sshll.u32 s5, $0xD;
	s9 =	sor.u32 s10, s9  }
0xc: {  	v3 =	vmul.u32 $0xFFFFFFFF, v0;
	s5 =	sor.u32 s3, s5;
	s3 =	simm.s32 $0x1;
	s30 =	sshrl.u32 s9, $0x3  }
0xd: {  	s10 =	simm.s32 $0x1180;
	s31 =	sshrl.u32 s5, $0x3;
	s4 =	sadd.s32 s4, s30  }
0xe: {  	v1 =	vimm.f32 $0.0e+00;
	v2 =	vadd.s32 $0x1, v0;
	v3 =	vadd.s32 $0xF, v3;
	s9 =	simm.s32 $0x80;
	s6 =	sadd.s32 s6, s31;
	s5 =	sadd.s32 $0x10, s4  }
.LBB2_1:
0xf: {  	[tilespmem:$0x70] =	vst v1  }
0x10: {  	[tilespmem:$0x1080] =	vst v1  }
0x11: {  	[tilespmem:$0x2180] =	vst v1  }
0x12: {  	[tilespmem:s9], [sflag:$0x1] =	stream.strided.gather [hbm4b:s4+s9], $0x1000, s8, s9, $0x38;
	[tilespmem:$0x4200] =	vst v63  }
0x13: {  	_ = 	snop  }
0x14: {  	[tilespmem:s10], [sflag:$0x2] =	stream.strided.gather [hbm4b:s5+s9], $0x1000, s8, s9, $0x38;
	[tilespmem:$0x4200] =	vst v63  }
0x15: {  	_ =	swait.ge [sflag:s11], $0x1000  }
0x16: {  	[sflag:s11] =	ssyncset.done $0x0  }
0x17: {  	s14 =	simm.s32 $0x2171;
	[sflag:s11] =	ssyncadd.s32 $0xFFFFF000  }
0x18: {  	v4 =	vld [tilespmem:s14+$0xFFFFFFFF]  }
0x19: {  	v5 =	vld [tilespmem:s14+$0x0]  }
0x1a: {  	v6 =	vld [tilespmem:s14+$0xFFFFFFEF]  }
0x1b: {  	v7 =	vld [tilespmem:s14+$0xFFFFFFF0]  }
0x1c: {  	v8 =	vld [tilespmem:s14+$0xFFFFFFDF]  }
0x1d: {  	v9 =	vld [tilespmem:s14+$0xFFFFFFE0]  }
0x1e: {  	s15 =	simm.s32 $0xFF0  }
0x1f: {  	v10 =	vld [tilespmem:s14+$0xFFFFFFD0];
	vm0 =	vgt.f32 v5, v4;
	v4 =	vadd.s32 s15, v2  }
0x20: {  	s31 =	simm.s32 $0xFE0;
	v5 =	vld [tilespmem:s14+$0xFFFFFFCF];
	v4 =	vnsel vm0, $0x100A, v4;
	vm0 =	vgt.f32 v7, v6  }
0x21: {  	s15 =	simm.s32 $0xFD0;
	v6 =	vor.u32 s31, v2;
	v11 =	vor.u32 $0x80000000, v4;
	v4 =	vperm.xlane v4, v3  }
0x22: {  	v6 =	vnsel vm0, $0x100A, v6;
	vm0 =	vgt.f32 v9, v8;
	v8 =	vadd.s32 s15, v2;
	(xrf0) =	vmin.scan.msk.u32 $0xffff, v11  }
0x23: {  	v7 =	vor.u32 $0x80000000, v6;
	v6 =	vperm.xlane v6, v3;
	v8 =	vnsel vm0, $0x100A, v8  }
0x24: {  	s16 =	simm.s32 $0xFC0;
	v4 =	vsub.s32 $0x80000000, v4;
	(xrf0) =	vmin.scan.msk.u32 $0xffff, v7;
	v7 =	vor.u32 $0x80000000, v8  }
0x25: {  	vm0 =	vgt.f32 v10, v5;
	v5 =	vor.u32 s16, v2;
	(xrf0) =	vmax.scan.msk.u32 $0xffff, v4;
	v4 =	vsub.s32 $0x80000000, v6  }
0x26: {  	v5 =	vnsel vm0, $0x100A, v5;
	(xrf0) =	vmin.scan.msk.u32 $0xffff, v7  }
0x27: {  	v6 =	vor.u32 $0x80000000, v5;
	(xrf0) =	vmax.scan.msk.u32 $0xffff, v4  }
0x28: {  	(xrf0) =	vmin.scan.msk.u32 $0xffff, v6;
	v4, _, _ =	vpop (xrf0)  }
0x29: {  	(v2sf) =	vpush v4, $0xF  }
0x2a: {  	s17 =	simm.s32 $0x2131;
	v4, _, _ =	vpop (xrf0)  }
0x2b: {  	v12 =	vld [tilespmem:s17+$0xFFFFFFF0];
	v6, _, _ =	vpop (xrf0);
	(v2sf) =	vpush v4, $0xF  }
0x2c: {  	v9 =	vld [tilespmem:s17+$0x0];
	v7, _, _ =	vpop (xrf0)  }
0x2d: {  	v4 =	vld [tilespmem:s17+$0xFFFFFFFF];
	v10, _, _ =	vpop (xrf0);
	(v2sf) =	vpush v7, $0xF  }
0x2e: {  	v8 =	vperm.xlane v8, v3;
	v7 =	vld [tilespmem:s17+$0xFFFFFFEF];
	v11, _, _ =	vpop (xrf0)  }
0x2f: {  	v13 =	vld [tilespmem:s17+$0xFFFFFFE0];
	v5 =	vperm.xlane v5, v3;
	(v2sf) =	vpush v11, $0xF  }
0x30: {  	v8 =	vsub.s32 $0x80000000, v8;
	v11 =	vld [tilespmem:s17+$0xFFFFFFDF]  }
0x31: {  	s18 =	simm.s32 $0xFB0;
	v5 =	vsub.s32 $0x80000000, v5;
	(xrf0) =	vmax.scan.msk.u32 $0xffff, v8;
	v8 =	vld [tilespmem:s17+$0xFFFFFFD0]  }
0x32: {  	s19 =	simm.s32 $0xFA0;
	v6 =	vxor.u32 $0x80000000, v6;
	vm0 =	vgt.f32 v9, v4;
	v4 =	vadd.s32 s18, v2;
	v9 =	vld [tilespmem:s17+$0xFFFFFFCF]  }
0x33: {  	v4 =	vnsel vm0, $0x100A, v4;
	vm0 =	vgt.f32 v12, v7;
	v7 =	vor.u32 s19, v2  }
0x34: {  	s21 =	simm.s32 $0xF90;
	(xrf0) =	vmax.scan.msk.u32 $0xffff, v5;
	v5 =	vor.u32 $0x80000000, v4;
	v4 =	vperm.xlane v4, v3;
	v7 =	vnsel vm0, $0x100A, v7  }
0x35: {  	(xrf0) =	vmin.scan.msk.u32 $0xffff, v5;
	v5 =	vor.u32 $0x80000000, v7;
	vm0 =	vgt.f32 v13, v11;
	v11 =	vadd.s32 s21, v2  }
0x36: {  	v4 =	vsub.s32 $0x80000000, v4;
	v7 =	vperm.xlane v7, v3;
	v11 =	vnsel vm0, $0x100A, v11  }
0x37: {  	s20 =	simm.s32 $0xFFFFEFF6;
	s22 =	simm.s32 $0xF80;
	(xrf0) =	vmin.scan.msk.u32 $0xffff, v5;
	vm0 =	vgt.f32 v8, v9;
	v5 =	vor.u32 $0x80000000, v11;
	v9 =	vperm.xlane v11, v3  }
0x38: {  	vm1 =	vgt.s32 v6, s20;
	v8 =	vor.u32 s22, v2;
	(xrf0) =	vmax.scan.msk.u32 $0xffff, v4;
	s23 =	spop (v2sf)  }
0x39: {  	v6 =	vnsel vm1, s20, v6;
	v7 =	vsub.s32 $0x80000000, v7;
	v8 =	vnsel vm0, $0x100A, v8;
	v4, _, _ =	vpop (xrf0);
	(xrf0) =	vmin.scan.msk.u32 $0xffff, v5;
	s15 =	sxor.u32 $0x80000000, s23  }
0x3a: {  	s16 =	simm.s32 $0x100A;
	v11 =	vperm.xlane v8, v3;
	v8 =	vor.u32 $0x80000000, v8;
	v5, _, _ =	vpop (xrf0);
	(xrf0) =	vmax.scan.msk.u32 $0xffff, v7;
	v7 =	vsub.s32 $0x80000000, v9;
	s24 =	spop (v2sf);
	p0 =	sgt.s32 s15, $0x100A  }
0x3b: {  	s31 =	simm.s32 $0xF50;
	v6 =	vperm.xlane v6, v3;
	v9, _, _ =	vpop (xrf0);
	(xrf0) =	vmin.scan.msk.u32 $0xffff, v8;
	s14 =	sxor.u32 $0x80000000, s24;
	s15 =	smov.u32 @p0 s16  }
0x3c: {  	v8 =	vxor.u32 $0x80000000, v10;
	v10 =	vsub.s32 $0x80000000, v11;
	(v2sf) =	vpush v9, $0xF;
	(xrf0) =	vmax.scan.msk.u32 $0xffff, v7;
	s25 =	spop (v2sf);
	p0 =	slt.s32 s15, s14;
	s17 =	ssub.s32 $0x0, s15  }
0x3d: {  	v62 =	vadd.s32 s31, v2;
	v6 =	vsub.s32 $0x8, v6;
	v7, _, _ =	vpop (xrf0);
	(xrf0) =	vmax.scan.msk.u32 $0xffff, v10;
	s18 =	sxor.u32 $0x80000000, s25;
	s14 =	smov.u32 @p0 s15;
	vm1 =	vgt.s32 v8, s17  }
0x3e: {  	vm0 =	vlt.s32 v6, $0x1000;
	v9, _, _ =	vpop (xrf0);
	(v2sf) =	vpush v7, $0xF;
	s15 =	simm.s32 $0x20F1;
	s26 =	spop (v2sf);
	p0 =	slt.s32 s14, s18;
	v7 =	vnsel vm1, s17, v8  }
0x3f: {  	v4 =	vxor.u32 $0x80000000, v4;
	v5 =	vxor.u32 $0x80000000, v5;
	v11 =	vnsel vm0, $0x1000, v6;
	v10, _, _ =	vpop (xrf0);
	v8 =	vld [tilespmem:s15+$0xFFFFFFFF];
	s28 =	ssub.s32 $0x0, s14;
	s16 =	sxor.u32 $0x80000000, s26;
	s18 =	smov.u32 @p0 s14  }
0x40: {  	v9 =	vxor.u32 $0x80000000, v9;
	v13 =	vld [tilespmem:s15+$0x0];
	v6, _, _ =	vpop (xrf0);
	(v2sf) =	vpush v10, $0xF;
	vm0 =	vgt.s32 v4, s28;
	p0 =	slt.s32 s18, s16  }
0x41: {  	v14 =	vld [tilespmem:s15+$0xFFFFFFEF];
	v12 =	vperm.xlane v7, v3;
	v6 =	vxor.u32 $0x80000000, v6;
	s14 =	ssub.s32 $0x0, s18;
	v4 =	vnsel vm0, s28, v4;
	v7, _, _ =	vpop (xrf0);
	s16 =	smov.u32 @p0 s18  }
0x42: {  	v15 =	vld [tilespmem:s15+$0xFFFFFFF0];
	vm0 =	vgt.s32 v5, s14;
	s29 =	ssub.s32 $0x0, s16;
	v10, _, _ =	vpop (xrf0);
	(v2sf) =	vpush v7, $0xF;
	v7 =	vperm.xlane v4, v3  }
0x43: {  	v16 =	vld [tilespmem:s15+$0xFFFFFFDF];
	v5 =	vnsel vm0, s14, v5;
	vm0 =	vgt.s32 v9, s29;
	v4 =	vxor.u32 $0x80000000, v10;
	v10, _, _ =	vpop (xrf0)  }
0x44: {  	v18 =	vld [tilespmem:s15+$0xFFFFFFE0];
	s17 =	simm.s32 $0xF70;
	v17 =	vperm.xlane v5, v3;
	v9 =	vnsel vm0, s29, v9;
	v5 =	vxor.u32 $0x80000000, v10  }
0x45: {  	v20 =	vld [tilespmem:s15+$0xFFFFFFD0];
	v7 =	vsub.s32 $0x8, v7;
	vm0 =	vgt.f32 v13, v8;
	v8 =	vadd.s32 s17, v2  }
0x46: {  	s30 =	simm.s32 $0xF60;
	s14 =	simm.s32 $0x31F0;
	v13 =	vld [tilespmem:s15+$0xFFFFFFCF];
	v9 =	vperm.xlane v9, v3;
	v19 =	vnsel vm0, $0x100A, v8;
	v8 =	vsub.s32 $0x8, v12  }
0x47: {  	[tilespmem:s14+$0x0] =	vst v11;
	vm0 =	vgt.f32 v15, v14;
	v14 =	vor.u32 s30, v2;
	v12 =	vor.u32 $0x80000000, v19  }
0x48: {  	v10 =	vsub.s32 $0x8, v17;
	v11 =	vperm.xlane v19, v3;
	v14 =	vnsel vm0, $0x100A, v14;
	(xrf0) =	vmin.scan.msk.u32 $0xffff, v12  }
0x49: {  	vm0 =	vgt.f32 v18, v16;
	v9 =	vsub.s32 $0x8, v9;
	v15 =	vor.u32 $0x80000000, v14  }
0x4a: {  	s19 =	simm.s32 $0xF40;
	v12 =	vperm.xlane v14, v3;
	v63 =	vsub.s32 $0x80000000, v11;
	v11 =	vnsel vm0, $0x100A, v62;
	(xrf0) =	vmin.scan.msk.u32 $0xffff, v15  }
0x4b: {  	s18 =	simm.s32 $0x8;
	v14 =	vor.u32 $0x80000000, v11;
	vm0 =	vgt.f32 v20, v13;
	v13 =	vor.u32 s19, v2;
	(xrf0) =	vmax.scan.msk.u32 $0xffff, v63;
	s19 =	spop (v2sf)  }
.LBB2_2:
0x4c: {  	s18 =	sadd.s32 $0x4, s18;
	v15 =	vsub.s32 $0x80000000, v12;
	v11 =	vperm.xlane v11, v3;
	v13 =	vnsel vm0, $0x100A, v13;
	(xrf0) =	vmin.scan.msk.u32 $0xffff, v14;
	s19 =	sxor.u32 $0x80000000, s19  }
0x4d: {  	vm0 =	vlt.s32 v10, $0x1000;
	p0 =	slt.u32 s18, $0xFC;
	v14 =	vperm.xlane v13, v3;
	v13 =	vor.u32 $0x80000000, v13;
	(xrf0) =	vmax.scan.msk.u32 $0xffff, v15;
	p1 =	slt.s32 s16, s19;
	s20 =	spop (v2sf)  }
0x4e: {  	vm1 =	vlt.s32 v8, $0x1000;
	vm2 =	vlt.s32 v7, $0x1000;
	v15 =	vsub.s32 $0x80000000, v11;
	v12, _, _ =	vpop (xrf0);
	(xrf0) =	vmin.scan.msk.u32 $0xffff, v13;
	s19 =	smov.u32 @p1 s16;
	s16 =	sxor.u32 $0x80000000, s20  }
0x4f: {  	vm3 =	vlt.s32 v9, $0x1000;
	v13 =	vsub.s32 $0x80000000, v14;
	(v2sf) =	vpush v12, $0xF;
	(xrf0) =	vmax.scan.msk.u32 $0xffff, v15;
	s20 =	ssub.s32 $0x0, s19;
	p1 =	slt.s32 s19, s16;
	s21 =	spop (v2sf)  }
0x50: {  	v7 =	vnsel vm2, $0x1000, v7;
	v10 =	vnsel vm0, $0x1000, v10;
	v11, _, _ =	vpop (xrf0);
	(xrf0) =	vmax.scan.msk.u32 $0xffff, v13;
	vm4 =	vgt.s32 v6, s20;
	s16 =	smov.u32 @p1 s19;
	s19 =	sxor.u32 $0x80000000, s21  }
0x51: {  	s15 =	sadd.s32 $0xFFFFFFC0, s15;
	v8 =	vnsel vm1, $0x1000, v8;
	v12, _, _ =	vpop (xrf0);
	(v2sf) =	vpush v11, $0xF;
	v15 =	vnsel vm4, s20, v6;
	p1 =	slt.s32 s16, s19;
	s20 =	spop (v2sf);
	[tilespmem:s14+$0xFFFFFFD0] =	vst v10  }
0x52: {  	v9 =	vnsel vm3, $0x1000, v9;
	s21 =	ssub.s32 $0x0, s16;
	v10 =	vld [tilespmem:s15+$0xFFFFFFFF];
	v11 =	vxor.u32 $0x80000000, v12;
	v12, _, _ =	vpop (xrf0);
	v13 =	vperm.xlane v15, v3;
	s19 =	smov.u32 @p1 s16;
	s16 =	sxor.u32 $0x80000000, s20;
	[tilespmem:s14+$0xFFFFFFE0] =	vst v7  }
0x53: {  	vm0 =	vgt.s32 v4, s21;
	v14 =	vld [tilespmem:s15+$0x0];
	v6, _, _ =	vpop (xrf0);
	(v2sf) =	vpush v12, $0xF;
	s20 =	ssub.s32 $0x0, s19;
	p1 =	slt.s32 s19, s16;
	[tilespmem:s14+$0xFFFFFFF0] =	vst v8;
	s14 =	sadd.s32 $0xFFFFFFC0, s14  }
0x54: {  	v4 =	vnsel vm0, s21, v4;
	v12 =	vld [tilespmem:s15+$0xFFFFFFEF];
	v6 =	vxor.u32 $0x80000000, v6;
	v7, _, _ =	vpop (xrf0);
	[tilespmem:s14+$0x0] =	vst v9;
	vm0 =	vgt.s32 v5, s20;
	s16 =	smov.u32 @p1 s19  }
0x55: {  	v9 =	vld [tilespmem:s15+$0xFFFFFFF0];
	s19 =	ssub.s32 $0x0, s16;
	v8, _, _ =	vpop (xrf0);
	(v2sf) =	vpush v7, $0xF;
	v7 =	vperm.xlane v4, v3;
	v5 =	vnsel vm0, s20, v5  }
0x56: {  	v15 =	vld [tilespmem:s15+$0xFFFFFFDF];
	vm0 =	vgt.s32 v11, s19;
	v4 =	vxor.u32 $0x80000000, v8;
	v8, _, _ =	vpop (xrf0);
	v16 =	vperm.xlane v5, v3  }
0x57: {  	s17 =	sadd.s32 $0xFFFFFFC0, s17;
	v17 =	vld [tilespmem:s15+$0xFFFFFFE0];
	v11 =	vnsel vm0, s19, v11;
	v5 =	vxor.u32 $0x80000000, v8;
	v7 =	vsub.s32 $0x8, v7  }
0x58: {  	v8 =	vadd.s32 s17, v2;
	vm0 =	vgt.f32 v14, v10;
	v18 =	vld [tilespmem:s15+$0xFFFFFFCF];
	v11 =	vperm.xlane v11, v3  }
0x59: {  	s19 =	sadd.s32 $0xFFFFFFF0, s17;
	v10 =	vsub.s32 $0x8, v16;
	v14 =	vnsel vm0, $0x100A, v8;
	v19 =	vld [tilespmem:s15+$0xFFFFFFD0];
	v8 =	vsub.s32 $0x8, v13  }
.Ltmp0:
0x5a: {  	v13 =	vor.u32 $0x80000000, v14;
	vm0 =	vgt.f32 v9, v12;
	v9 =	vor.u32 s19, v2;
	(pc) =	sbr.rel @p0 .LBB2_2-.Ltmp0, $4  }
0x5b: {  	v12 =	vperm.xlane v14, v3;
	s19 =	sadd.s32 $0xFFFFFFE0, s17;
	v14 =	vnsel vm0, $0x100A, v9;
	(xrf0) =	vmin.scan.msk.u32 $0xffff, v13;
	v9 =	vsub.s32 $0x8, v11  }
0x5c: {  	v11 =	vadd.s32 s19, v2;
	v13 =	vor.u32 $0x80000000, v14;
	vm0 =	vgt.f32 v17, v15  }
0x5d: {  	s19 =	sadd.s32 $0xFFFFFFD0, s17;
	v15 =	vsub.s32 $0x80000000, v12;
	v12 =	vperm.xlane v14, v3;
	v11 =	vnsel vm0, $0x100A, v11;
	(xrf0) =	vmin.scan.msk.u32 $0xffff, v13  }
0x5e: {  	v13 =	vor.u32 s19, v2;
	v14 =	vor.u32 $0x80000000, v11;
	vm0 =	vgt.f32 v19, v18;
	(xrf0) =	vmax.scan.msk.u32 $0xffff, v15;
	s19 =	spop (v2sf)  }
0x5f: {  	(xrf0) =	vmin.scan.msk.u32 $0xffff, v14;
	_ =	sdelay $0x1  }
0x60: {  	v14, _, _ =	vpop (xrf0)  }
0x61: {  	(v2sf) =	vpush v14, $0xF  }
0x62: {  	v14, _, _ =	vpop (xrf0)  }
0x63: {  	v15, _, _ =	vpop (xrf0);
	(v2sf) =	vpush v14, $0xF  }
0x64: {  	v14, _, _ =	vpop (xrf0)  }
0x65: {  	(v2sf) =	vpush v14, $0xF;
	_ =	sdelay $0x3  }
0x66: {  	s15 =	sxor.u32 $0x80000000, s19;
	v12 =	vsub.s32 $0x80000000, v12;
	v13 =	vnsel vm0, $0x100A, v13  }
0x67: {  	s17 =	spop (v2sf);
	p0 =	slt.s32 s16, s15;
	(xrf0) =	vmax.scan.msk.u32 $0xffff, v12;
	v14 =	vor.u32 $0x80000000, v13  }
0x68: {  	s15 =	smov.u32 @p0 s16;
	s16 =	sxor.u32 $0x80000000, s17;
	v12 =	vperm.xlane v13, v3;
	(xrf0) =	vmin.scan.msk.u32 $0xffff, v14  }
0x69: {  	v11 =	vperm.xlane v11, v3;
	p0 =	slt.s32 s15, s16;
	s19 =	spop (v2sf)  }
0x6a: {  	vm0 =	vlt.s32 v10, $0x1000;
	vm1 =	vlt.s32 v8, $0x1000;
	s16 =	smov.u32 @p0 s15;
	s17 =	sxor.u32 $0x80000000, s19;
	v12 =	vsub.s32 $0x80000000, v12  }
0x6b: {  	vm2 =	vlt.s32 v7, $0x1000;
	vm3 =	vlt.s32 v9, $0x1000;
	v11 =	vsub.s32 $0x80000000, v11;
	s15 =	ssub.s32 $0x0, s15;
	p0 =	slt.s32 s16, s17;
	s18 =	spop (v2sf)  }
0x6c: {  	v7 =	vnsel vm2, $0x1000, v7;
	v10 =	vnsel vm0, $0x1000, v10;
	vm4 =	vgt.s32 v6, s15;
	s21 =	ssub.s32 $0x0, s16;
	s17 =	smov.u32 @p0 s16;
	s18 =	sxor.u32 $0x80000000, s18;
	(xrf0) =	vmax.scan.msk.u32 $0xffff, v11  }
0x6d: {  	v8 =	vnsel vm1, $0x1000, v8;
	v6 =	vnsel vm4, s15, v6;
	vm0 =	vgt.s32 v4, s21;
	p0 =	slt.s32 s17, s18;
	(xrf0) =	vmax.scan.msk.u32 $0xffff, v12;
	v12, _, _ =	vpop (xrf0);
	s20 =	spop (v2sf)  }
0x6e: {  	v9 =	vnsel vm3, $0x1000, v9;
	v6 =	vperm.xlane v6, v3;
	v4 =	vnsel vm0, s21, v4;
	s18 =	smov.u32 @p0 s17;
	s17 =	ssub.s32 $0x0, s17;
	v13, _, _ =	vpop (xrf0);
	s16 =	sxor.u32 $0x80000000, s20  }
0x6f: {  	v4 =	vperm.xlane v4, v3;
	vm1 =	vgt.s32 v5, s17;
	(v2sf) =	vpush v13, $0xF;
	p0 =	slt.s32 s18, s16;
	s22 =	spop (v2sf)  }
0x70: {  	v11 =	vxor.u32 $0x80000000, v15;
	v6 =	vsub.s32 $0x8, v6;
	v5 =	vnsel vm1, s17, v5;
	s20 =	ssub.s32 $0x0, s18;
	s16 =	smov.u32 @p0 s18;
	s18 =	sxor.u32 $0x80000000, s22  }
0x71: {  	v4 =	vsub.s32 $0x8, v4;
	vm1 =	vlt.s32 v6, $0x1000;
	v5 =	vperm.xlane v5, v3;
	p0 =	slt.s32 s16, s18;
	s23 =	spop (v2sf)  }
0x72: {  	vm2 =	vlt.s32 v4, $0x1000;
	v6 =	vnsel vm1, $0x1000, v6;
	v12 =	vxor.u32 $0x80000000, v12;
	s18 =	smov.u32 @p0 s16;
	s15 =	sxor.u32 $0x80000000, s23  }
0x73: {  	v4 =	vnsel vm2, $0x1000, v4;
	v5 =	vsub.s32 $0x8, v5;
	v13, _, _ =	vpop (xrf0);
	vm0 =	vgt.s32 v11, s20;
	p0 =	slt.s32 s18, s15  }
0x74: {  	[tilespmem:s14+$0xFFFFFFD0] =	vst v10;
	v14, _, _ =	vpop (xrf0);
	v13 =	vxor.u32 $0x80000000, v13;
	v11 =	vnsel vm0, s20, v11;
	vm0 =	vlt.s32 v5, $0x1000;
	s24 =	ssub.s32 $0x0, s18;
	s15 =	smov.u32 @p0 s18  }
0x75: {  	[tilespmem:s14+$0xFFFFFFE0] =	vst v7;
	v14 =	vxor.u32 $0x80000000, v14;
	v5 =	vnsel vm0, $0x1000, v5;
	vm0 =	vgt.s32 v13, s24;
	s15 =	ssub.s32 $0x0, s15  }
0x76: {  	s25 =	sadd.s32 $0xFFFFFFC0, s14;
	[tilespmem:s14+$0xFFFFFFF0] =	vst v8;
	v11 =	vperm.xlane v11, v3;
	s16 =	ssub.s32 $0x0, s16;
	v8 =	vnsel vm0, s24, v13;
	vm14 =	vgt.s32 v14, s15  }
0x77: {  	[tilespmem:s25+$0xFFFFFFD0] =	vst v5;
	vm15 =	vgt.s32 v12, s16;
	v5 =	vperm.xlane v8, v3;
	v7 =	vnsel vm14, s15, v14  }
0x78: {  	[tilespmem:s25+$0x0] =	vst v9;
	v10 =	vsub.s32 $0x8, v11;
	v9 =	vnsel vm15, s16, v12;
	v7 =	vperm.xlane v7, v3  }
0x79: {  	[tilespmem:s25+$0xFFFFFFF0] =	vst v6;
	vm3 =	vlt.s32 v10, $0x1000;
	v8 =	vperm.xlane v9, v3;
	v5 =	vsub.s32 $0x8, v5  }
0x7a: {  	s14 =	sadd.s32 $0xFFFFFFC0, s25;
	[tilespmem:s25+$0xFFFFFFE0] =	vst v4;
	vm1 =	vlt.s32 v5, $0x1000;
	v4 =	vsub.s32 $0x8, v7;
	v7 =	vnsel vm3, $0x1000, v10  }
0x7b: {  	v6 =	vsub.s32 $0x8, v8;
	v5 =	vnsel vm1, $0x1000, v5;
	vm0 =	vlt.s32 v4, $0x1000;
	[tilespmem:s14+$0x0] =	vst v7  }
0x7c: {  	[tilespmem:s14+$0xFFFFFFE0] =	vst v5;
	v4 =	vnsel vm0, $0x1000, v4;
	vm0 =	vlt.s32 v6, $0x1000  }
0x7d: {  	[tilespmem:s14+$0xFFFFFFD0] =	vst v4;
	v4 =	vnsel vm0, $0x1000, v6  }
0x7e: {  	s26 =	spop (v2sf);
	[tilespmem:s14+$0xFFFFFFF0] =	vst v4  }
0x7f: {  	_ =	swait.ge [sflag:s3], $0x1000  }
0x80: {  	[sflag:s3] =	ssyncset.done $0x0  }
0x81: {  	s15 =	simm.s32 $0xB0;
	[sflag:s3] =	ssyncadd.s32 $0xFFFFF000  }
0x82: {  	v4 =	vld [tilespmem:s15+$0x0]  }
0x83: {  	v5 =	vld [tilespmem:s15+$0xFFFFFFF0]  }
0x84: {  	v6 =	vld [tilespmem:s15+$0xFFFFFFE0]  }
0x85: {  	s28 =	simm.s32 $0x2220;
	s14 =	simm.s32 $0x0;
	v7 =	vld [tilespmem:s15+$0xFFFFFFCF]  }
0x86: {  	s29 =	sand.u32 $0xFC0, s14;
	v8 =	vld [tilespmem:s28+$0xFFFFFFE0]  }
0x87: {  	v9 =	vld [tilespmem:s29+$0x80]  }
0x88: {  	v10 =	vld [tilespmem:s15+$0xFFFFFFDF]  }
0x89: {  	v11 =	vld [tilespmem:s28+$0xFFFFFFF0]  }
0x8a: {  	v12 =	vld [tilespmem:s15+$0xFFFFFFEF]  }
0x8b: {  	v13 =	vld [tilespmem:s28+$0x0]  }
0x8c: {  	vm0 =	vgt.f32 v9, v7;
	v7 =	vxor.u32 $0x80000000, v8;
	v8 =	vld [tilespmem:s15+$0xFFFFFFFF]  }
0x8d: {  	s19 =	simm.s32 $0x2260;
	v9 =	vld [tilespmem:s28+$0x10];
	v7 =	vnsel vm0, $0x80000000, v7  }
0x8e: {  	s30 =	simm.s32 $0xF0;
	v14 =	vld [tilespmem:s19+$0xFFFFFFF0];
	vm0 =	vgt.f32 v6, v10;
	v6 =	vxor.u32 $0x80000000, v11;
	(xrf0) =	vmax.scan.msk.u32 $0xffff, v7  }
0x8f: {  	v15 =	vld [tilespmem:s30+$0xFFFFFFEF];
	v6 =	vnsel vm0, $0x80000000, v6  }
0x90: {  	v16 =	vld [tilespmem:s19+$0x0];
	vm0 =	vgt.f32 v5, v12;
	v5 =	vxor.u32 $0x80000000, v13;
	(xrf0) =	vmax.scan.msk.u32 $0xffff, v6  }
0x91: {  	v17 =	vld [tilespmem:s30+$0xFFFFFFFF];
	v5 =	vnsel vm0, $0x80000000, v5  }
0x92: {  	v18 =	vld [tilespmem:s19+$0x10];
	(xrf0) =	vmax.scan.msk.u32 $0xffff, v5;
	vm0 =	vgt.f32 v4, v8;
	v4 =	vxor.u32 $0x80000000, v9  }
0x93: {  	s31 =	simm.s32 $0x40;
	v5 =	vld [tilespmem:s30+$0xFFFFFFCF];
	v4 =	vnsel vm0, $0x80000000, v4  }
0x94: {  	s20 =	sand.u32 $0xFC0, s31;
	v8 =	vld [tilespmem:s19+$0xFFFFFFE0];
	v6, _, _ =	vpop (xrf0);
	(xrf0) =	vmax.scan.msk.u32 $0xffff, v4  }
0x95: {  	v4 =	vld [tilespmem:s20+$0x80];
	v9 =	vxor.u32 $0x80000000, v6  }
0x96: {  	v12 =	vld [tilespmem:s30+$0xFFFFFFE0];
	v6, _, _ =	vpop (xrf0);
	(v2sf) =	vpush v9, $0xF  }
0x97: {  	s18 =	simm.s32 $0x130;
	v13 =	vld [tilespmem:s30+$0xFFFFFFDF];
	v23 =	vxor.u32 $0x80000000, v6  }
0x98: {  	v26 =	vld [tilespmem:s18+$0xFFFFFFE0];
	v6, _, _ =	vpop (xrf0);
	(v2sf) =	vpush v23, $0xF  }
0x99: {  	v11 =	vld [tilespmem:s30+$0xFFFFFFF0];
	v6 =	vxor.u32 $0x80000000, v6  }
0x9a: {  	v28 =	vld [tilespmem:s18+$0xFFFFFFDF];
	(v2sf) =	vpush v6, $0xF;
	vm0 =	vgt.f32 v4, v5;
	v4 =	vxor.u32 $0x80000000, v8;
	v7, _, _ =	vpop (xrf0)  }
0x9b: {  	s16 =	simm.s32 $0x22A0;
	v10 =	vld [tilespmem:s30+$0x0];
	v4 =	vnsel vm0, $0x80000000, v4;
	v7 =	vxor.u32 $0x80000000, v7  }
0x9c: {  	v29 =	vld [tilespmem:s16+$0xFFFFFFF0];
	v5 =	vxor.u32 $0x80000000, v14;
	vm0 =	vgt.f32 v12, v13;
	(xrf0) =	vmax.scan.msk.u32 $0xffff, v4;
	(v2sf) =	vpush v7, $0xF  }
0x9d: {  	v4 =	vnsel vm0, $0x80000000, v5  }
0x9e: {  	vm0 =	vgt.f32 v11, v15;
	v5 =	vxor.u32 $0x80000000, v16;
	(xrf0) =	vmax.scan.msk.u32 $0xffff, v4  }
0x9f: {  	v4 =	vnsel vm0, $0x80000000, v5  }
0xa0: {  	v19 =	vor.u32 s14, v0;
	s15 =	simm.s32 $0x80;
	vm0 =	vgt.f32 v10, v17;
	v5 =	vxor.u32 $0x80000000, v18;
	(xrf0) =	vmax.scan.msk.u32 $0xffff, v4  }
0xa1: {  	s23 =	simm.s32 $0x30;
	s26 =	simm.s32 $0x70;
	v22 =	vld [tilespmem:s18+$0xFFFFFFCF];
	vm1 =	vgt.f32 v26, v28;
	v28 =	vxor.u32 $0x80000000, v29;
	s28 =	sand.u32 $0xFC0, s15;
	v4 =	vnsel vm0, $0x80000000, v5  }
0xa2: {  	v28 =	vnsel vm1, $0x80000000, v28;
	v27 =	vld [tilespmem:s28+$0x80];
	v8 =	vor.u32 s26, v0;
	v13 =	vor.u32 s23, v0;
	(xrf0) =	vmax.scan.msk.u32 $0xffff, v4;
	v14, _, _ =	vpop (xrf0)  }
0xa3: {  	s21 =	simm.s32 $0x10;
	v25 =	vld [tilespmem:s16+$0xFFFFFFE0];
	v12 =	vor.u32 s31, v0;
	vm0 =	vgt.s32 v9, s14;
	v16 =	vxor.u32 $0x80000000, v14  }
0xa4: {  	s22 =	simm.s32 $0x20;
	v20 =	vld [tilespmem:s18+$0x0];
	v11 =	vor.u32 s21, v0;
	v18 =	vnsel vm0, s14, v9;
	v21, _, _ =	vpop (xrf0);
	(v2sf) =	vpush v16, $0xF  }
0xa5: {  	s25 =	simm.s32 $0x60;
	s24 =	simm.s32 $0x50;
	v24 =	vld [tilespmem:s18+$0xFFFFFFEF];
	v17 =	vor.u32 s22, v0;
	vm0 =	vgt.s32 v18, v19;
	v19 =	vxor.u32 $0x80000000, v21;
	s22 =	spop (v2sf)  }
0xa6: {  	v15 =	vor.u32 s24, v0;
	v10 =	vor.u32 s25, v0;
	v18 =	vld [tilespmem:s18+$0xFFFFFFF0];
	v21, _, _ =	vpop (xrf0);
	(v2sf) =	vpush v19, $0xF;
	p0 =	slt.s32 s22, $0x0  }
0xa7: {  	s30 =	simm.s32 $0xA0;
	v30 =	vsel vm0, $0x3F800000, v1;
	vm0 =	vgt.f32 v27, v22;
	v27 =	vld [tilespmem:s16+$0x0];
	v21 =	vxor.u32 $0x80000000, v21;
	s20 =	spop (v2sf);
	s22 =	smov.u32 @p0 s14  }
0xa8: {  	s17 =	simm.s32 $0x8;
	v26 =	vld [tilespmem:s16+$0x10];
	v5 =	vor.u32 s30, v0;
	v22 =	vxor.u32 $0x80000000, v25;
	v25, _, _ =	vpop (xrf0);
	(v2sf) =	vpush v21, $0xF;
	p0 =	sgt.s32 s22, s20  }
0xa9: {  	s29 =	simm.s32 $0x90;
	v9 =	vor.u32 s15, v0;
	v31 =	vnsel vm0, $0x80000000, v22;
	v22 =	vxor.u32 $0x80000000, v25;
	v25 =	vld [tilespmem:s18+$0xFFFFFFFF];
	s21 =	spop (v2sf);
	s20 =	smov.u32 @p0 s22  }
0xaa: {  	s31 =	simm.s32 $0xB0;
	v4 =	vor.u32 s29, v0;
	(xrf0) =	vmax.scan.msk.u32 $0xffff, v31;
	s14 =	simm.s32 $0x3220;
	(v2sf) =	vpush v22, $0xF;
	vm0 =	vgt.s32 v23, s22;
	p0 =	sgt.s32 s20, s21  }
0xab: {  	s19 =	simm.s32 $0x170;
	v14 =	vor.u32 s31, v0;
	[tilespmem:s14+$0xFFFFFFE0] =	vst v30;
	v23 =	vnsel vm0, s22, v23;
	vm0 =	vgt.s32 v6, s20;
	s21 =	smov.u32 @p0 s20;
	s18 =	spop (v2sf)  }
.LBB2_4:
0xac: {  	v29 =	vld [tilespmem:s19+$0x0];
	vm1 =	vgt.f32 v18, v24;
	v24 =	vxor.u32 $0x80000000, v27;
	(xrf0) =	vmax.scan.msk.u32 $0xffff, v28;
	vm2 =	vgt.s32 v7, s21;
	p0 =	sgt.s32 s21, s18;
	v30 =	vmovc v19  }
0xad: {  	s17 =	sadd.s32 $0x4, s17;
	v18 =	vld [tilespmem:s19+$0xFFFFFFF0];
	v19 =	vnsel vm1, $0x80000000, v24;
	v24 =	vnsel vm0, s20, v6;
	v27 =	vnsel vm2, s21, v7;
	s18 =	smov.u32 @p0 s21;
	v6 =	vmovc v21;
	v7 =	vmovc v22  }
0xae: {  	p0 =	slt.u32 s17, $0xFC;
	vm0 =	vgt.f32 v20, v25;
	v28 =	vld [tilespmem:s19+$0xFFFFFFE0];
	v20 =	vxor.u32 $0x80000000, v26;
	(xrf0) =	vmax.scan.msk.u32 $0xffff, v19;
	vm1 =	vgt.s32 v16, s18  }
0xaf: {  	s15 =	sadd.s32 $0x40, s15;
	s16 =	sadd.s32 $0x40, s16;
	v22 =	vld [tilespmem:s19+$0xFFFFFFCF];
	v19 =	vnsel vm0, $0x80000000, v20;
	v21 =	vnsel vm1, s18, v16;
	vm0 =	vgt.s32 v27, v13;
	v13 =	vmovc v8;
	v8 =	vmovc v14  }
0xb0: {  	s20 =	sand.u32 $0xFC0, s15;
	s21 =	sadd.s32 $0x10, s15;
	s22 =	sadd.s32 $0x20, s15;
	v26 =	vor.u32 s15, v0;
	vm2 =	vgt.s32 v24, v17;
	vm1 =	vgt.s32 v23, v11;
	v25 =	vld [tilespmem:s16+$0xFFFFFFE0];
	v14, _, _ =	vpop (xrf0);
	(xrf0) =	vmax.scan.msk.u32 $0xffff, v19  }
0xb1: {  	v31 =	vor.u32 s22, v0;
	v23 =	vor.u32 s21, v0;
	v11 =	vmovc v15;
	v17 =	vld [tilespmem:s20+$0x80];
	s20 =	sadd.s32 $0x30, s15;
	v16 =	vxor.u32 $0x80000000, v14;
	v20 =	vmovc v29  }
0xb2: {  	vm3 =	vgt.s32 v21, v12;
	v29 =	vld [tilespmem:s19+$0xFFFFFFDF];
	v14 =	vor.u32 s20, v0;
	(v2sf) =	vpush v16, $0xF;
	v15, _, _ =	vpop (xrf0)  }
0xb3: {  	v21 =	vsel vm0, $0x3F800000, v1;
	v12 =	vmovc v9;
	v9 =	vmovc v26;
	v32 =	vld [tilespmem:s16+$0xFFFFFFF0];
	v19 =	vxor.u32 $0x80000000, v15;
	s22 =	spop (v2sf);
	v15 =	vsel vm2, $0x3F800000, v1  }
0xb4: {  	v34 =	vsel vm1, $0x3F800000, v1;
	v33 =	vsel vm3, $0x3F800000, v1;
	v24 =	vld [tilespmem:s19+$0xFFFFFFEF];
	(v2sf) =	vpush v19, $0xF;
	v26, _, _ =	vpop (xrf0);
	p1 =	sgt.s32 s18, s22;
	[tilespmem:s14+$0x10] =	vst v21  }
.Ltmp1:
0xb5: {  	v27 =	vld [tilespmem:s16+$0x0];
	v21 =	vxor.u32 $0x80000000, v26;
	s22 =	smov.u32 @p1 s18;
	s20 =	spop (v2sf);
	[tilespmem:s14+$0x0] =	vst v15;
	(pc) =	sbr.rel @p0 .LBB2_4-.Ltmp1, $4  }
0xb6: {  	v35 =	vxor.u32 $0x80000000, v25;
	vm0 =	vgt.f32 v17, v22;
	v25 =	vld [tilespmem:s19+$0xFFFFFFFF];
	(v2sf) =	vpush v21, $0xF;
	v17, _, _ =	vpop (xrf0);
	p1 =	sgt.s32 s22, s20;
	[tilespmem:s14+$0xFFFFFFF0] =	vst v34;
	s14 =	sadd.s32 $0x40, s14  }
0xb7: {  	v15 =	vmovc v4;
	v4 =	vmovc v23;
	v34 =	vnsel vm0, $0x80000000, v35;
	v26 =	vld [tilespmem:s16+$0x10];
	v22 =	vxor.u32 $0x80000000, v17;
	[tilespmem:s14+$0xFFFFFFE0] =	vst v33;
	vm0 =	vgt.s32 v30, s22;
	s20 =	smov.u32 @p1 s22;
	s21 =	spop (v2sf)  }
0xb8: {  	vm1 =	vgt.f32 v28, v29;
	v17 =	vmovc v10;
	v23 =	vxor.u32 $0x80000000, v32;
	(xrf0) =	vmax.scan.msk.u32 $0xffff, v34;
	(v2sf) =	vpush v22, $0xF;
	p1 =	sgt.s32 s20, s21  }
0xb9: {  	s19 =	sadd.s32 $0x40, s19;
	v10 =	vmovc v5;
	v5 =	vmovc v31;
	v28 =	vnsel vm1, $0x80000000, v23;
	v23 =	vnsel vm0, s22, v30;
	vm0 =	vgt.s32 v6, s20;
	s21 =	smov.u32 @p1 s20;
	s18 =	spop (v2sf)  }
0xba: {  	vm1 =	vgt.f32 v18, v24;
	v46 =	vxor.u32 $0x80000000, v27;
	(xrf0) =	vmax.scan.msk.u32 $0xffff, v28  }
0xbb: {  	v18 =	vnsel vm1, $0x80000000, v46  }
0xbc: {  	(xrf0) =	vmax.scan.msk.u32 $0xffff, v18;
	_ =	sdelay $0x1  }
0xbd: {  	v47, _, _ =	vpop (xrf0)  }
0xbe: {  	v18 =	vxor.u32 $0x80000000, v47  }
0xbf: {  	(v2sf) =	vpush v18, $0xF;
	v48, _, _ =	vpop (xrf0)  }
0xc0: {  	v24 =	vxor.u32 $0x80000000, v48  }
0xc1: {  	vm9 =	vgt.f32 v20, v25;
	v50 =	vxor.u32 $0x80000000, v26;
	(v2sf) =	vpush v24, $0xF;
	v49, _, _ =	vpop (xrf0)  }
0xc2: {  	v20 =	vnsel vm9, $0x80000000, v50;
	v51 =	vxor.u32 $0x80000000, v49  }
0xc3: {  	(xrf0) =	vmax.scan.msk.u32 $0xffff, v20;
	(v2sf) =	vpush v51, $0xF;
	_ =	sdelay $0x1  }
0xc4: {  	p0 =	sgt.s32 s21, s18  }
0xc5: {  	s18 =	smov.u32 @p0 s21;
	s15 =	spop (v2sf)  }
0xc6: {  	p0 =	sgt.s32 s18, s15  }
0xc7: {  	s16 =	spop (v2sf);
	s15 =	smov.u32 @p0 s18  }
0xc8: {  	p0 =	sgt.s32 s15, s16;
	v20, _, _ =	vpop (xrf0)  }
0xc9: {  	vm10 =	vgt.s32 v7, s21;
	s16 =	smov.u32 @p0 s15;
	s17 =	spop (v2sf);
	v20 =	vxor.u32 $0x80000000, v20  }
0xca: {  	v6 =	vnsel vm0, s20, v6;
	vm4 =	vgt.s32 v23, v11;
	p0 =	sgt.s32 s16, s17;
	(v2sf) =	vpush v20, $0xF  }
0xcb: {  	v7 =	vnsel vm10, s21, v7;
	vm2 =	vgt.s32 v6, v17;
	v55 =	vsel vm4, $0x3F800000, v1;
	s17 =	smov.u32 @p0 s16;
	s19 =	spop (v2sf)  }
0xcc: {  	vm11 =	vgt.s32 v16, s18;
	vm14 =	vgt.s32 v7, v13;
	vm12 =	vgt.s32 v19, s15;
	p0 =	sgt.s32 s17, s19  }
0xcd: {  	v54 =	vsel vm2, $0x3F800000, v1;
	v16 =	vnsel vm11, s18, v16;
	v19 =	vnsel vm12, s15, v19;
	s19 =	smov.u32 @p0 s17;
	s15 =	spop (v2sf)  }
0xce: {  	v52 =	vsel vm14, $0x3F800000, v1;
	vm6 =	vgt.s32 v16, v12;
	vm13 =	vgt.s32 v21, s16;
	p0 =	sgt.s32 s19, s15  }
0xcf: {  	[tilespmem:s14+$0xFFFFFFF0] =	vst v55;
	v12 =	vsel vm6, $0x3F800000, v1;
	vm8 =	vgt.s32 v19, v15;
	v21 =	vnsel vm13, s16, v21;
	s15 =	smov.u32 @p0 s19;
	s16 =	spop (v2sf)  }
0xd0: {  	[tilespmem:s14+$0x0] =	vst v54;
	v60 =	vsel vm8, $0x3F800000, v1;
	vm15 =	vgt.s32 v22, s17;
	vm5 =	vgt.s32 v18, s19;
	p0 =	sgt.s32 s15, s16  }
0xd1: {  	s30 =	sadd.s32 $0x40, s14;
	[tilespmem:s14+$0x10] =	vst v52;
	vm9 =	vgt.s32 v21, v10;
	v53 =	vnsel vm15, s17, v22;
	v56 =	vnsel vm5, s19, v18;
	s16 =	smov.u32 @p0 s15;
	s17 =	spop (v2sf)  }
0xd2: {  	[tilespmem:s30+$0xFFFFFFE0] =	vst v12;
	v58 =	vsel vm9, $0x3F800000, v1;
	vm7 =	vgt.s32 v53, v8;
	vm3 =	vgt.s32 v56, v9;
	p0 =	sgt.s32 s16, s17  }
0xd3: {  	[tilespmem:s30+$0xFFFFFFF0] =	vst v60;
	v57 =	vsel vm7, $0x3F800000, v1;
	v59 =	vsel vm3, $0x3F800000, v1;
	vm11 =	vgt.s32 v51, s16;
	s17 =	smov.u32 @p0 s16  }
0xd4: {  	[tilespmem:s30+$0x0] =	vst v58;
	vm12 =	vgt.s32 v24, s15;
	v62 =	vnsel vm11, s16, v51;
	vm10 =	vgt.s32 v20, s17  }
0xd5: {  	s14 =	sadd.s32 $0x40, s30;
	[tilespmem:s30+$0x10] =	vst v57;
	v63 =	vnsel vm12, s15, v24;
	vm14 =	vgt.s32 v62, v5;
	v61 =	vnsel vm10, s17, v20  }
0xd6: {  	[tilespmem:s14+$0xFFFFFFE0] =	vst v59;
	vm15 =	vgt.s32 v63, v4;
	v4 =	vsel vm14, $0x3F800000, v1;
	vm13 =	vgt.s32 v61, v14  }
0xd7: {  	s2 =	sadd.s32 $0x1, s2;
	[tilespmem:s14+$0x0] =	vst v4;
	v5 =	vsel vm13, $0x3F800000, v1  }
0xd8: {  	p0 =	sne.s32 s2, s7;
	[tilespmem:s14+$0x10] =	vst v5;
	v5 =	vsel vm15, $0x3F800000, v1  }
.Ltmp2:
0xd9: {  	s31 =	spop (v2sf);
	[tilespmem:s14+$0xFFFFFFF0] =	vst v5;
	(pc) =	sbr.rel @p0 .LBB2_1-.Ltmp2, $4  }
0xda: {  	[hbm4b:s6+s9] =	stream.strided.scatter [tilespmem:s13], [sflag:$0x2], $0x1000, s12, s9, $0x38;
	[tilespmem:$0x4200] =	vst v63  }
0xdb: {  	_ =	swait.ge [sflag:s11], $0x1000  }
0xdc: {  	[sflag:s11] =	ssyncset.done $0x0  }
0xdd: {  	[sflag:s11] =	ssyncadd.s32 $0xFFFFF000  }
0xde: {  	_ =	sfence.sel $0x180000  }
0xdf: {  	[bflag:$0x0] =	sbarrier.arrive $0xFFFF  }
0xe0: {  	p0 =	sne.s32 s0, $0x0;
	_ =	strace $0x90000047  }
0xe1: {  	s0 =	sadd.s32 @!p0 $0x100000, s1;
	[bflag:$0x2] =	sbarrier.arrive $0xFFFF  }
0xe2: {  	[sflag:s0] =	ssyncadd.tile.s32 @!p0 $0x1;
	_ =	shalt  }
.Lfunc_end2:
_tile_overlayer_lowered:
.L_overlay_start_2:
0xe3: {  	(tag) =	ssettag $0x2  }
0xe4: {  	s0 =	rddreg [dreg:$0x0];
	s2 =	stileid.u32  }
0xe5: {  	s1 =	rddreg [dreg:$0x1];
	p0 =	sne.s32 s2, $0x0  }
0xe6: {  	s3 =	rddreg [dreg:$0x2];
	[bflag:$0x3] =	sbarrier.arrive $0xFFFF;
	s2 =	simm.s32 @!p0 $0x1C02  }
0xe7: {  	[timem:s3], [sflag:s2] =	dma.local @!p0 [hbm:s0], s1  }
0xe8: {  	s0 =	simm.s32 @!p0 $0x2  }
0xe9: {  	_ =	swait.ge @!p0 [sflag:s0], s1  }
0xea: {  	s1 =	ssub.s32 @!p0 $0x0, s1;
	[sflag:s0] =	ssyncset.done @!p0 $0x0  }
0xeb: {  	[sflag:s0] =	ssyncadd.s32 @!p0 s1  }
0xec: {  	[bflag:$0x3] =	sbarrier.arrive $0xFFFF  }
0xed: {  	_ =	shalt  }

</sc_bundles>
